<compile_context>
chip_gen: v7x
topology: tpu7x:2x2x1
jax: 0.10.2.dev20260603
libtpu: 0.0.44.dev20260713+nightly
codegen_flags: <defaults>
</compile_context>

<pallas_src>
import functools

import jax
import jax.numpy as jnp
from jax import lax
from jax.experimental import pallas as pl
from jax.experimental.pallas import tpu as pltpu
from jax.experimental.pallas import tpu_sc as plsc

B = 16384
D = 64
NEG = 20
R = NEG + 1
SLOTS = 32
NC = 2
NS = 16
NW = NC * NS
SPW = B // NW
CS = 32
NCHUNK = SPW // CS
L = 16
CH = D // L


def _sc_scores(pu, idx, utab, vtab):
    mesh = plsc.VectorSubcoreMesh(core_axis_name="c", subcore_axis_name="s")

    @functools.partial(
        pl.kernel,
        out_type=jax.ShapeDtypeStruct((B * SLOTS,), jnp.float32),
        mesh=mesh,
        compiler_params=pltpu.CompilerParams(
            needs_layout_passes=False, use_tc_tiling_on_sc=False),
        scratch_types=[
            pltpu.VMEM((CS,), jnp.int32),
            pltpu.VMEM((CS * R,), jnp.int32),
            pltpu.VMEM((CS, D), jnp.float32),
            pltpu.VMEM((CS * R, D), jnp.float32),
            pltpu.VMEM((CS * SLOTS,), jnp.float32),
            pltpu.VMEM((L * L,), jnp.float32),
            pltpu.SemaphoreType.DMA,
            pltpu.SemaphoreType.DMA,
        ],
    )
    def k(pu_hbm, idx_hbm, utab_hbm, vtab_hbm, out_hbm,
          pu_v, idx_v, urows, vrows, scores, tbuf, sem_u, sem_v):
        wid = lax.axis_index("s") * NC + lax.axis_index("c")
        flat_base = lax.iota(jnp.int32, L) * L
        zero16 = jnp.zeros((L,), jnp.float32)

        def chunk_body(ci, carry):
            s0 = wid * SPW + ci * CS
            pltpu.sync_copy(pu_hbm.at[pl.ds(s0, CS)], pu_v)
            pltpu.sync_copy(idx_hbm.at[pl.ds(s0 * R, CS * R)], idx_v)
            cu = pltpu.async_copy(utab_hbm.at[pu_v], urows, sem_u)
            cv = pltpu.async_copy(vtab_hbm.at[idx_v], vrows, sem_v)
            cu.wait()
            cv.wait()

            def sample_body(i, carry2):
                u = [urows[i, pl.ds(c * L, L)] for c in range(CH)]

                def dot_partial(k_):
                    p = u[0] * vrows[i * R + k_, pl.ds(0, L)]
                    for c in range(1, CH):
                        p = p + u[c] * vrows[i * R + k_, pl.ds(c * L, L)]
                    return p

                def col_reduce():
                    acc = zero16
                    for c in range(L):
                        acc = acc + plsc.load_gather(tbuf, [flat_base + c])
                    return acc

                for k_ in range(L):
                    tbuf[pl.ds(k_ * L, L)] = dot_partial(k_)
                scores[pl.ds(i * SLOTS, L)] = col_reduce()
                for k_ in range(L, R):
                    tbuf[pl.ds((k_ - L) * L, L)] = dot_partial(k_)
                for k_ in range(R - L, L):
                    tbuf[pl.ds(k_ * L, L)] = zero16
                scores[pl.ds(i * SLOTS + L, L)] = col_reduce()
                return carry2

            lax.fori_loop(0, CS, sample_body, 0)
            pltpu.sync_copy(scores, out_hbm.at[pl.ds(s0 * SLOTS, CS * SLOTS)])
            return carry

        lax.fori_loop(0, NCHUNK, chunk_body, 0)

    return k(pu, idx, utab, vtab)


def _tc_reduce(x):

    def body(x_ref, o_ref):
        v = x_ref[...]
        lanes = lax.broadcasted_iota(jnp.int32, v.shape, 1)
        valid = (lanes % SLOTS) < R
        v = jnp.clip(v, -10.0, 10.0)
        sp = jnp.where(valid, jax.nn.softplus(v), 0.0)
        o_ref[0, 0] = jnp.sum(sp) / B

    out = pl.pallas_call(
        body,
        out_shape=jax.ShapeDtypeStruct((1, 1), jnp.float32),
        out_specs=pl.BlockSpec(memory_space=pltpu.SMEM),
    )(x)
    return out.reshape(())


def kernel(pos_u, pos_v, neg_v, u_emb_0, v_emb_0):
    pu = pos_u.reshape(B).astype(jnp.int32)
    idx = jnp.concatenate(
        [pos_v.reshape(B, 1), neg_v.reshape(B, NEG)], axis=1
    ).astype(jnp.int32).reshape(B * R)
    scores = _sc_scores(pu, idx, u_emb_0, v_emb_0)
    return _tc_reduce(scores.reshape(B * SLOTS // 128, 128))

# --- scband reference (transcript-rebuilt; emitter-appended) ---
"""Pipeline reference for scband-skip-gram-model-81355270521128 (READ-ONLY COPY).

The authoritative reference and input builder live on the scoring server;
editing this copy changes nothing except your own understanding.
"""

import jax, jax.numpy as jnp
import numpy as np

EMB_SIZE = [1000000]
EMB_DIM = 64
B = 16384
NEG = 20

def setup_inputs(seed: int = 0) -> dict:
    key = jax.random.key(seed)
    k1, k2, k3, k4, k5 = jax.random.split(key, 5)
    initrange = 1.0 / EMB_DIM / len(EMB_SIZE)
    pos_u = jax.random.randint(k1, (B, len(EMB_SIZE)), 0, EMB_SIZE[0])
    pos_v = jax.random.randint(k2, (B, len(EMB_SIZE)), 0, EMB_SIZE[0])
    neg_v = jax.random.randint(k3, (B, NEG, len(EMB_SIZE)), 0, EMB_SIZE[0])
    u_emb_0 = jax.random.uniform(k4, (EMB_SIZE[0], EMB_DIM), dtype=jnp.float32, minval=-initrange, maxval=initrange)
    # original init is constant 0 for v; use small random values so the computation is non-degenerate
    v_emb_0 = jax.random.normal(k5, (EMB_SIZE[0], EMB_DIM), dtype=jnp.float32) * initrange
    return {"pos_u": pos_u, "pos_v": pos_v, "neg_v": neg_v, "u_emb_0": u_emb_0, "v_emb_0": v_emb_0}


def reference(pos_u, pos_v, neg_v, u_emb_0, v_emb_0):
    u_tables = [u_emb_0]
    v_tables = [v_emb_0]
    n_fields = len(u_tables)
    # emb_u: stack per-field lookups -> [B, F, D]
    emb_u = jnp.stack([jnp.take(u_tables[i], pos_u[:, i], axis=0) for i in range(n_fields)], axis=1)
    score_all = []
    neg_score_all = []
    for i in range(n_fields):
        emb_v = jnp.take(v_tables[i], pos_v[:, i], axis=0)            # [B, D]
        emb_neg_v = jnp.take(v_tables[i], neg_v[:, :, i], axis=0)     # [B, NEG, D]
        score = jnp.matmul(emb_u, emb_v[:, :, None])                  # [B, F, 1]
        score = jnp.clip(score, -10.0, 10.0)
        score_all.append(jnp.squeeze(-jnp.sum(jax.nn.log_sigmoid(-score), axis=1)))
        neg_score = jnp.matmul(emb_neg_v, jnp.transpose(emb_u, (0, 2, 1)))  # [B, NEG, F]
        neg_score = jnp.clip(neg_score, -10.0, 10.0)
        neg_score_all.append(jnp.squeeze(-jnp.sum(jax.nn.log_sigmoid(-neg_score), axis=1)))
    score_all = jnp.stack(score_all, axis=1)
    neg_score_all = jnp.stack(neg_score_all, axis=1)
    return jnp.mean(score_all + neg_score_all)

if __name__ == "__main__":
    import jax
    _d = setup_inputs()
    print(jax.jit(kernel)(*tuple(_d.values())))

</pallas_src>

<mosaic_0001>
#map = affine_map<(d0, d1) -> (0)>
#map1 = affine_map<(d0, d1) -> (0, 0)>
module attributes {stable_mosaic.version = 14 : i64} {
  func.func @k(%arg0: i32, %arg1: i32, %arg2: memref<16384xi32, #tpu.memory_space<hbm>>, %arg3: memref<344064xi32, #tpu.memory_space<hbm>>, %arg4: memref<1000000x64xf32, #tpu.memory_space<hbm>>, %arg5: memref<1000000x64xf32, #tpu.memory_space<hbm>>, %arg6: memref<524288xf32, #tpu.memory_space<hbm>>, %arg7: memref<32xi32, #tpu.memory_space<vmem>>, %arg8: memref<672xi32, #tpu.memory_space<vmem>>, %arg9: memref<32x64xf32, #tpu.memory_space<vmem>>, %arg10: memref<672x64xf32, #tpu.memory_space<vmem>>, %arg11: memref<1024xf32, #tpu.memory_space<vmem>>, %arg12: memref<256xf32, #tpu.memory_space<vmem>>, %arg13: memref<!tpu.dma_semaphore, #tpu.memory_space<semaphore_mem>>, %arg14: memref<!tpu.dma_semaphore, #tpu.memory_space<semaphore_mem>>) attributes {dimension_semantics = [#tpu.dimension_semantics<core_parallel>, #tpu.dimension_semantics<subcore_parallel>], iteration_bounds = array<i64: 2, 16>, scalar_prefetch = 0 : i64, scratch_operands = 8 : i64, tpu.core_type = #tpu.core_type<sc_vector_subcore>, window_params = [{transform_indices = #map}, {transform_indices = #map}, {transform_indices = #map1}, {transform_indices = #map1}, {transform_indices = #map}]} {
    %mul3A = arith.constant 2 : i32
    %mul3A_0 = arith.muli %arg1, %mul3A : i32
    %add3A = arith.addi %mul3A_0, %arg0 : i32
    %iota3A = tpu.iota {dimensions = array<i32: 0>} : vector<16xi32>
    %mul3A_1 = arith.constant 16 : i32
    %mul3A_2 = vector.broadcast %mul3A_1 : i32 to vector<16xi32>
    %mul3A_3 = arith.muli %iota3A, %mul3A_2 : vector<16xi32>
    %broadcast_in_dim3A = arith.constant 0.000000e+00 : f32
    %broadcast_in_dim3A_4 = vector.broadcast %broadcast_in_dim3A : f32 to vector<16xf32>
    %scan3A = arith.constant 0 : i32
    %scan3A_5 = arith.constant 0 : i32
    %scan3A_6 = arith.constant 16 : i32
    %scan3A_7 = arith.addi %scan3A_5, %scan3A_6 : i32
    %scan3A_8 = arith.constant 1 : i32
    scf.for %scan3A_10 = %scan3A_5 to %scan3A_7 step %scan3A_8  : i32 {
      %mul3A_11 = arith.constant 512 : i32
      %mul3A_12 = arith.muli %add3A, %mul3A_11 : i32
      %mul3A_13 = arith.constant 32 : i32
      %mul3A_14 = arith.muli %scan3A_10, %mul3A_13 : i32
      %add3A_15 = arith.addi %mul3A_12, %mul3A_14 : i32
      "tpu.region"() ({
        %run_scoped3A = tpu.sem_alloc : memref<!tpu.dma_semaphore, #tpu.memory_space<semaphore_mem>>
        %dma_start3A_36 = tpu.memref_slice %arg2[%add3A_15] : memref<16384xi32, #tpu.memory_space<hbm>> -> memref<32xi32, #tpu.memory_space<hbm>>
        %dma_start3A_37 = tpu.memref_slice %arg2[%add3A_15] : memref<16384xi32, #tpu.memory_space<hbm>> -> memref<32xi32, #tpu.memory_space<hbm>>
        tpu.enqueue_dma source(%dma_start3A_37 : memref<32xi32, #tpu.memory_space<hbm>>) target(%arg7 : memref<32xi32, #tpu.memory_space<vmem>>) target_semaphore(%run_scoped3A : memref<!tpu.dma_semaphore, #tpu.memory_space<semaphore_mem>>)
        %dma_wait3A_38 = tpu.memref_slice %arg2[%add3A_15] : memref<16384xi32, #tpu.memory_space<hbm>> -> memref<32xi32, #tpu.memory_space<hbm>>
        %dma_wait3A_39 = tpu.memref_slice %arg2[%add3A_15] : memref<16384xi32, #tpu.memory_space<hbm>> -> memref<32xi32, #tpu.memory_space<hbm>>
        tpu.wait_dma2 semaphore(%run_scoped3A : memref<!tpu.dma_semaphore, #tpu.memory_space<semaphore_mem>>) src(%dma_wait3A_39 : memref<32xi32, #tpu.memory_space<hbm>>) dst(%arg7 : memref<32xi32, #tpu.memory_space<vmem>>)
        tpu.yield
      }) : () -> ()
      %mul3A_16 = arith.constant 21 : i32
      %mul3A_17 = arith.muli %add3A_15, %mul3A_16 : i32
      "tpu.region"() ({
        %run_scoped3A = tpu.sem_alloc : memref<!tpu.dma_semaphore, #tpu.memory_space<semaphore_mem>>
        %dma_start3A_36 = tpu.memref_slice %arg3[%mul3A_17] : memref<344064xi32, #tpu.memory_space<hbm>> -> memref<672xi32, #tpu.memory_space<hbm>>
        %dma_start3A_37 = tpu.memref_slice %arg3[%mul3A_17] : memref<344064xi32, #tpu.memory_space<hbm>> -> memref<672xi32, #tpu.memory_space<hbm>>
        tpu.enqueue_dma source(%dma_start3A_37 : memref<672xi32, #tpu.memory_space<hbm>>) target(%arg8 : memref<672xi32, #tpu.memory_space<vmem>>) target_semaphore(%run_scoped3A : memref<!tpu.dma_semaphore, #tpu.memory_space<semaphore_mem>>)
        %dma_wait3A_38 = tpu.memref_slice %arg3[%mul3A_17] : memref<344064xi32, #tpu.memory_space<hbm>> -> memref<672xi32, #tpu.memory_space<hbm>>
        %dma_wait3A_39 = tpu.memref_slice %arg3[%mul3A_17] : memref<344064xi32, #tpu.memory_space<hbm>> -> memref<672xi32, #tpu.memory_space<hbm>>
        tpu.wait_dma2 semaphore(%run_scoped3A : memref<!tpu.dma_semaphore, #tpu.memory_space<semaphore_mem>>) src(%dma_wait3A_39 : memref<672xi32, #tpu.memory_space<hbm>>) dst(%arg8 : memref<672xi32, #tpu.memory_space<vmem>>)
        tpu.yield
      }) : () -> ()
      %dma_start3A = arith.constant 0 : i32
      %dma_start3A_18 = arith.constant 0 : i32
      %dma_start3A_19 = tpu.memref_slice %arg4[%dma_start3A, %dma_start3A_18] : memref<1000000x64xf32, #tpu.memory_space<hbm>> -> memref<1000000x64xf32, #tpu.memory_space<hbm>>
      tpu.enqueue_indirect_dma source(%dma_start3A_19 : memref<1000000x64xf32, #tpu.memory_space<hbm>>) target(%arg9 : memref<32x64xf32, #tpu.memory_space<vmem>>) offsets(%arg7 : memref<32xi32, #tpu.memory_space<vmem>>) semaphore(%arg13 : memref<!tpu.dma_semaphore, #tpu.memory_space<semaphore_mem>>)
      %dma_start3A_20 = arith.constant 0 : i32
      %dma_start3A_21 = arith.constant 0 : i32
      %dma_start3A_22 = tpu.memref_slice %arg5[%dma_start3A_20, %dma_start3A_21] : memref<1000000x64xf32, #tpu.memory_space<hbm>> -> memref<1000000x64xf32, #tpu.memory_space<hbm>>
      tpu.enqueue_indirect_dma source(%dma_start3A_22 : memref<1000000x64xf32, #tpu.memory_space<hbm>>) target(%arg10 : memref<672x64xf32, #tpu.memory_space<vmem>>) offsets(%arg8 : memref<672xi32, #tpu.memory_space<vmem>>) semaphore(%arg14 : memref<!tpu.dma_semaphore, #tpu.memory_space<semaphore_mem>>)
      %dma_wait3A = arith.constant 0 : i32
      %dma_wait3A_23 = arith.constant 0 : i32
      %dma_wait3A_24 = tpu.memref_slice %arg4[%dma_wait3A, %dma_wait3A_23] : memref<1000000x64xf32, #tpu.memory_space<hbm>> -> memref<1000000x64xf32, #tpu.memory_space<hbm>>
      tpu.wait_indirect_dma semaphore(%arg13 : memref<!tpu.dma_semaphore, #tpu.memory_space<semaphore_mem>>) src(%dma_wait3A_24 : memref<1000000x64xf32, #tpu.memory_space<hbm>>) dst(%arg9 : memref<32x64xf32, #tpu.memory_space<vmem>>)
      %dma_wait3A_25 = arith.constant 0 : i32
      %dma_wait3A_26 = arith.constant 0 : i32
      %dma_wait3A_27 = tpu.memref_slice %arg5[%dma_wait3A_25, %dma_wait3A_26] : memref<1000000x64xf32, #tpu.memory_space<hbm>> -> memref<1000000x64xf32, #tpu.memory_space<hbm>>
      tpu.wait_indirect_dma semaphore(%arg14 : memref<!tpu.dma_semaphore, #tpu.memory_space<semaphore_mem>>) src(%dma_wait3A_27 : memref<1000000x64xf32, #tpu.memory_space<hbm>>) dst(%arg10 : memref<672x64xf32, #tpu.memory_space<vmem>>)
      %scan3A_28 = arith.constant 0 : i32
      %scan3A_29 = arith.constant 0 : i32
      %scan3A_30 = arith.constant 32 : i32
      %scan3A_31 = arith.addi %scan3A_29, %scan3A_30 : i32
      %scan3A_32 = arith.constant 1 : i32
      scf.for %scan3A_36 = %scan3A_29 to %scan3A_31 step %scan3A_32  : i32 {
        %get3A = arith.index_cast %scan3A_36 : i32 to index
        %get3A_37 = arith.constant 0 : index
        %get3A_38 = tpu.vector_load %arg9[%get3A, %get3A_37] {strides = array<i32>} : memref<32x64xf32, #tpu.memory_space<vmem>>, vector<16xf32>,
        %get3A_39 = arith.index_cast %scan3A_36 : i32 to index
        %get3A_40 = arith.constant 16 : index
        %get3A_41 = tpu.vector_load %arg9[%get3A_39, %get3A_40] {strides = array<i32>} : memref<32x64xf32, #tpu.memory_space<vmem>>, vector<16xf32>,
        %get3A_42 = arith.index_cast %scan3A_36 : i32 to index
        %get3A_43 = arith.constant 32 : index
        %get3A_44 = tpu.vector_load %arg9[%get3A_42, %get3A_43] {strides = array<i32>} : memref<32x64xf32, #tpu.memory_space<vmem>>, vector<16xf32>,
        %get3A_45 = arith.index_cast %scan3A_36 : i32 to index
        %get3A_46 = arith.constant 48 : index
        %get3A_47 = tpu.vector_load %arg9[%get3A_45, %get3A_46] {strides = array<i32>} : memref<32x64xf32, #tpu.memory_space<vmem>>, vector<16xf32>,
        %mul3A_48 = arith.constant 21 : i32
        %mul3A_49 = arith.muli %scan3A_36, %mul3A_48 : i32
        %add3A_50 = arith.constant 0 : i32
        %add3A_51 = arith.addi %mul3A_49, %add3A_50 : i32
        %get3A_52 = arith.index_cast %add3A_51 : i32 to index
        %get3A_53 = arith.constant 0 : index
        %get3A_54 = tpu.vector_load %arg10[%get3A_52, %get3A_53] {strides = array<i32>} : memref<672x64xf32, #tpu.memory_space<vmem>>, vector<16xf32>,
        %mul3A_55 = arith.mulf %get3A_38, %get3A_54 : vector<16xf32>
        %mul3A_56 = arith.constant 21 : i32
        %mul3A_57 = arith.muli %scan3A_36, %mul3A_56 : i32
        %add3A_58 = arith.constant 0 : i32
        %add3A_59 = arith.addi %mul3A_57, %add3A_58 : i32
        %get3A_60 = arith.index_cast %add3A_59 : i32 to index
        %get3A_61 = arith.constant 16 : index
        %get3A_62 = tpu.vector_load %arg10[%get3A_60, %get3A_61] {strides = array<i32>} : memref<672x64xf32, #tpu.memory_space<vmem>>, vector<16xf32>,
        %mul3A_63 = arith.mulf %get3A_41, %get3A_62 : vector<16xf32>
        %add3A_64 = arith.addf %mul3A_55, %mul3A_63 : vector<16xf32>
        %mul3A_65 = arith.constant 21 : i32
        %mul3A_66 = arith.muli %scan3A_36, %mul3A_65 : i32
        %add3A_67 = arith.constant 0 : i32
        %add3A_68 = arith.addi %mul3A_66, %add3A_67 : i32
        %get3A_69 = arith.index_cast %add3A_68 : i32 to index
        %get3A_70 = arith.constant 32 : index
        %get3A_71 = tpu.vector_load %arg10[%get3A_69, %get3A_70] {strides = array<i32>} : memref<672x64xf32, #tpu.memory_space<vmem>>, vector<16xf32>,
        %mul3A_72 = arith.mulf %get3A_44, %get3A_71 : vector<16xf32>
        %add3A_73 = arith.addf %add3A_64, %mul3A_72 : vector<16xf32>
        %mul3A_74 = arith.constant 21 : i32
        %mul3A_75 = arith.muli %scan3A_36, %mul3A_74 : i32
        %add3A_76 = arith.constant 0 : i32
        %add3A_77 = arith.addi %mul3A_75, %add3A_76 : i32
        %get3A_78 = arith.index_cast %add3A_77 : i32 to index
        %get3A_79 = arith.constant 48 : index
        %get3A_80 = tpu.vector_load %arg10[%get3A_78, %get3A_79] {strides = array<i32>} : memref<672x64xf32, #tpu.memory_space<vmem>>, vector<16xf32>,
        %mul3A_81 = arith.mulf %get3A_47, %get3A_80 : vector<16xf32>
        %add3A_82 = arith.addf %add3A_73, %mul3A_81 : vector<16xf32>
        %swap3A = arith.constant 0 : index
        %swap3A_83 = tpu.vector_load %arg12[%swap3A] {strides = array<i32>} : memref<256xf32, #tpu.memory_space<vmem>>, vector<16xf32>,
        tpu.vector_store %arg12[%swap3A], %add3A_82 {strides = array<i32>} : memref<256xf32, #tpu.memory_space<vmem>>, vector<16xf32>,
        %mul3A_84 = arith.constant 21 : i32
        %mul3A_85 = arith.muli %scan3A_36, %mul3A_84 : i32
        %add3A_86 = arith.constant 1 : i32
        %add3A_87 = arith.addi %mul3A_85, %add3A_86 : i32
        %get3A_88 = arith.index_cast %add3A_87 : i32 to index
        %get3A_89 = arith.constant 0 : index
        %get3A_90 = tpu.vector_load %arg10[%get3A_88, %get3A_89] {strides = array<i32>} : memref<672x64xf32, #tpu.memory_space<vmem>>, vector<16xf32>,
        %mul3A_91 = arith.mulf %get3A_38, %get3A_90 : vector<16xf32>
        %mul3A_92 = arith.constant 21 : i32
        %mul3A_93 = arith.muli %scan3A_36, %mul3A_92 : i32
        %add3A_94 = arith.constant 1 : i32
        %add3A_95 = arith.addi %mul3A_93, %add3A_94 : i32
        %get3A_96 = arith.index_cast %add3A_95 : i32 to index
        %get3A_97 = arith.constant 16 : index
        %get3A_98 = tpu.vector_load %arg10[%get3A_96, %get3A_97] {strides = array<i32>} : memref<672x64xf32, #tpu.memory_space<vmem>>, vector<16xf32>,
        %mul3A_99 = arith.mulf %get3A_41, %get3A_98 : vector<16xf32>
        %add3A_100 = arith.addf %mul3A_91, %mul3A_99 : vector<16xf32>
        %mul3A_101 = arith.constant 21 : i32
        %mul3A_102 = arith.muli %scan3A_36, %mul3A_101 : i32
        %add3A_103 = arith.constant 1 : i32
        %add3A_104 = arith.addi %mul3A_102, %add3A_103 : i32
        %get3A_105 = arith.index_cast %add3A_104 : i32 to index
        %get3A_106 = arith.constant 32 : index
        %get3A_107 = tpu.vector_load %arg10[%get3A_105, %get3A_106] {strides = array<i32>} : memref<672x64xf32, #tpu.memory_space<vmem>>, vector<16xf32>,
        %mul3A_108 = arith.mulf %get3A_44, %get3A_107 : vector<16xf32>
        %add3A_109 = arith.addf %add3A_100, %mul3A_108 : vector<16xf32>
        %mul3A_110 = arith.constant 21 : i32
        %mul3A_111 = arith.muli %scan3A_36, %mul3A_110 : i32
        %add3A_112 = arith.constant 1 : i32
        %add3A_113 = arith.addi %mul3A_111, %add3A_112 : i32
        %get3A_114 = arith.index_cast %add3A_113 : i32 to index
        %get3A_115 = arith.constant 48 : index
        %get3A_116 = tpu.vector_load %arg10[%get3A_114, %get3A_115] {strides = array<i32>} : memref<672x64xf32, #tpu.memory_space<vmem>>, vector<16xf32>,
        %mul3A_117 = arith.mulf %get3A_47, %get3A_116 : vector<16xf32>
        %add3A_118 = arith.addf %add3A_109, %mul3A_117 : vector<16xf32>
        %swap3A_119 = arith.constant 16 : index
        %swap3A_120 = tpu.vector_load %arg12[%swap3A_119] {strides = array<i32>} : memref<256xf32, #tpu.memory_space<vmem>>, vector<16xf32>,
        tpu.vector_store %arg12[%swap3A_119], %add3A_118 {strides = array<i32>} : memref<256xf32, #tpu.memory_space<vmem>>, vector<16xf32>,
        %mul3A_121 = arith.constant 21 : i32
        %mul3A_122 = arith.muli %scan3A_36, %mul3A_121 : i32
        %add3A_123 = arith.constant 2 : i32
        %add3A_124 = arith.addi %mul3A_122, %add3A_123 : i32
        %get3A_125 = arith.index_cast %add3A_124 : i32 to index
        %get3A_126 = arith.constant 0 : index
        %get3A_127 = tpu.vector_load %arg10[%get3A_125, %get3A_126] {strides = array<i32>} : memref<672x64xf32, #tpu.memory_space<vmem>>, vector<16xf32>,
        %mul3A_128 = arith.mulf %get3A_38, %get3A_127 : vector<16xf32>
        %mul3A_129 = arith.constant 21 : i32
        %mul3A_130 = arith.muli %scan3A_36, %mul3A_129 : i32
        %add3A_131 = arith.constant 2 : i32
        %add3A_132 = arith.addi %mul3A_130, %add3A_131 : i32
        %get3A_133 = arith.index_cast %add3A_132 : i32 to index
        %get3A_134 = arith.constant 16 : index
        %get3A_135 = tpu.vector_load %arg10[%get3A_133, %get3A_134] {strides = array<i32>} : memref<672x64xf32, #tpu.memory_space<vmem>>, vector<16xf32>,
        %mul3A_136 = arith.mulf %get3A_41, %get3A_135 : vector<16xf32>
        %add3A_137 = arith.addf %mul3A_128, %mul3A_136 : vector<16xf32>
        %mul3A_138 = arith.constant 21 : i32
        %mul3A_139 = arith.muli %scan3A_36, %mul3A_138 : i32
        %add3A_140 = arith.constant 2 : i32
        %add3A_141 = arith.addi %mul3A_139, %add3A_140 : i32
        %get3A_142 = arith.index_cast %add3A_141 : i32 to index
        %get3A_143 = arith.constant 32 : index
        %get3A_144 = tpu.vector_load %arg10[%get3A_142, %get3A_143] {strides = array<i32>} : memref<672x64xf32, #tpu.memory_space<vmem>>, vector<16xf32>,
        %mul3A_145 = arith.mulf %get3A_44, %get3A_144 : vector<16xf32>
        %add3A_146 = arith.addf %add3A_137, %mul3A_145 : vector<16xf32>
        %mul3A_147 = arith.constant 21 : i32
        %mul3A_148 = arith.muli %scan3A_36, %mul3A_147 : i32
        %add3A_149 = arith.constant 2 : i32
        %add3A_150 = arith.addi %mul3A_148, %add3A_149 : i32
        %get3A_151 = arith.index_cast %add3A_150 : i32 to index
        %get3A_152 = arith.constant 48 : index
        %get3A_153 = tpu.vector_load %arg10[%get3A_151, %get3A_152] {strides = array<i32>} : memref<672x64xf32, #tpu.memory_space<vmem>>, vector<16xf32>,
        %mul3A_154 = arith.mulf %get3A_47, %get3A_153 : vector<16xf32>
        %add3A_155 = arith.addf %add3A_146, %mul3A_154 : vector<16xf32>
        %swap3A_156 = arith.constant 32 : index
        %swap3A_157 = tpu.vector_load %arg12[%swap3A_156] {strides = array<i32>} : memref<256xf32, #tpu.memory_space<vmem>>, vector<16xf32>,
        tpu.vector_store %arg12[%swap3A_156], %add3A_155 {strides = array<i32>} : memref<256xf32, #tpu.memory_space<vmem>>, vector<16xf32>,
        %mul3A_158 = arith.constant 21 : i32
        %mul3A_159 = arith.muli %scan3A_36, %mul3A_158 : i32
        %add3A_160 = arith.constant 3 : i32
        %add3A_161 = arith.addi %mul3A_159, %add3A_160 : i32
        %get3A_162 = arith.index_cast %add3A_161 : i32 to index
        %get3A_163 = arith.constant 0 : index
        %get3A_164 = tpu.vector_load %arg10[%get3A_162, %get3A_163] {strides = array<i32>} : memref<672x64xf32, #tpu.memory_space<vmem>>, vector<16xf32>,
        %mul3A_165 = arith.mulf %get3A_38, %get3A_164 : vector<16xf32>
        %mul3A_166 = arith.constant 21 : i32
        %mul3A_167 = arith.muli %scan3A_36, %mul3A_166 : i32
        %add3A_168 = arith.constant 3 : i32
        %add3A_169 = arith.addi %mul3A_167, %add3A_168 : i32
        %get3A_170 = arith.index_cast %add3A_169 : i32 to index
        %get3A_171 = arith.constant 16 : index
        %get3A_172 = tpu.vector_load %arg10[%get3A_170, %get3A_171] {strides = array<i32>} : memref<672x64xf32, #tpu.memory_space<vmem>>, vector<16xf32>,
        %mul3A_173 = arith.mulf %get3A_41, %get3A_172 : vector<16xf32>
        %add3A_174 = arith.addf %mul3A_165, %mul3A_173 : vector<16xf32>
        %mul3A_175 = arith.constant 21 : i32
        %mul3A_176 = arith.muli %scan3A_36, %mul3A_175 : i32
        %add3A_177 = arith.constant 3 : i32
        %add3A_178 = arith.addi %mul3A_176, %add3A_177 : i32
        %get3A_179 = arith.index_cast %add3A_178 : i32 to index
        %get3A_180 = arith.constant 32 : index
        %get3A_181 = tpu.vector_load %arg10[%get3A_179, %get3A_180] {strides = array<i32>} : memref<672x64xf32, #tpu.memory_space<vmem>>, vector<16xf32>,
        %mul3A_182 = arith.mulf %get3A_44, %get3A_181 : vector<16xf32>
        %add3A_183 = arith.addf %add3A_174, %mul3A_182 : vector<16xf32>
        %mul3A_184 = arith.constant 21 : i32
        %mul3A_185 = arith.muli %scan3A_36, %mul3A_184 : i32
        %add3A_186 = arith.constant 3 : i32
        %add3A_187 = arith.addi %mul3A_185, %add3A_186 : i32
        %get3A_188 = arith.index_cast %add3A_187 : i32 to index
        %get3A_189 = arith.constant 48 : index
        %get3A_190 = tpu.vector_load %arg10[%get3A_188, %get3A_189] {strides = array<i32>} : memref<672x64xf32, #tpu.memory_space<vmem>>, vector<16xf32>,
        %mul3A_191 = arith.mulf %get3A_47, %get3A_190 : vector<16xf32>
        %add3A_192 = arith.addf %add3A_183, %mul3A_191 : vector<16xf32>
        %swap3A_193 = arith.constant 48 : index
        %swap3A_194 = tpu.vector_load %arg12[%swap3A_193] {strides = array<i32>} : memref<256xf32, #tpu.memory_space<vmem>>, vector<16xf32>,
        tpu.vector_store %arg12[%swap3A_193], %add3A_192 {strides = array<i32>} : memref<256xf32, #tpu.memory_space<vmem>>, vector<16xf32>,
        %mul3A_195 = arith.constant 21 : i32
        %mul3A_196 = arith.muli %scan3A_36, %mul3A_195 : i32
        %add3A_197 = arith.constant 4 : i32
        %add3A_198 = arith.addi %mul3A_196, %add3A_197 : i32
        %get3A_199 = arith.index_cast %add3A_198 : i32 to index
        %get3A_200 = arith.constant 0 : index
        %get3A_201 = tpu.vector_load %arg10[%get3A_199, %get3A_200] {strides = array<i32>} : memref<672x64xf32, #tpu.memory_space<vmem>>, vector<16xf32>,
        %mul3A_202 = arith.mulf %get3A_38, %get3A_201 : vector<16xf32>
        %mul3A_203 = arith.constant 21 : i32
        %mul3A_204 = arith.muli %scan3A_36, %mul3A_203 : i32
        %add3A_205 = arith.constant 4 : i32
        %add3A_206 = arith.addi %mul3A_204, %add3A_205 : i32
        %get3A_207 = arith.index_cast %add3A_206 : i32 to index
        %get3A_208 = arith.constant 16 : index
        %get3A_209 = tpu.vector_load %arg10[%get3A_207, %get3A_208] {strides = array<i32>} : memref<672x64xf32, #tpu.memory_space<vmem>>, vector<16xf32>,
        %mul3A_210 = arith.mulf %get3A_41, %get3A_209 : vector<16xf32>
        %add3A_211 = arith.addf %mul3A_202, %mul3A_210 : vector<16xf32>
        %mul3A_212 = arith.constant 21 : i32
        %mul3A_213 = arith.muli %scan3A_36, %mul3A_212 : i32
        %add3A_214 = arith.constant 4 : i32
        %add3A_215 = arith.addi %mul3A_213, %add3A_214 : i32
        %get3A_216 = arith.index_cast %add3A_215 : i32 to index
        %get3A_217 = arith.constant 32 : index
        %get3A_218 = tpu.vector_load %arg10[%get3A_216, %get3A_217] {strides = array<i32>} : memref<672x64xf32, #tpu.memory_space<vmem>>, vector<16xf32>,
        %mul3A_219 = arith.mulf %get3A_44, %get3A_218 : vector<16xf32>
        %add3A_220 = arith.addf %add3A_211, %mul3A_219 : vector<16xf32>
        %mul3A_221 = arith.constant 21 : i32
        %mul3A_222 = arith.muli %scan3A_36, %mul3A_221 : i32
        %add3A_223 = arith.constant 4 : i32
        %add3A_224 = arith.addi %mul3A_222, %add3A_223 : i32
        %get3A_225 = arith.index_cast %add3A_224 : i32 to index
        %get3A_226 = arith.constant 48 : index
        %get3A_227 = tpu.vector_load %arg10[%get3A_225, %get3A_226] {strides = array<i32>} : memref<672x64xf32, #tpu.memory_space<vmem>>, vector<16xf32>,
        %mul3A_228 = arith.mulf %get3A_47, %get3A_227 : vector<16xf32>
        %add3A_229 = arith.addf %add3A_220, %mul3A_228 : vector<16xf32>
        %swap3A_230 = arith.constant 64 : index
        %swap3A_231 = tpu.vector_load %arg12[%swap3A_230] {strides = array<i32>} : memref<256xf32, #tpu.memory_space<vmem>>, vector<16xf32>,
        tpu.vector_store %arg12[%swap3A_230], %add3A_229 {strides = array<i32>} : memref<256xf32, #tpu.memory_space<vmem>>, vector<16xf32>,
        %mul3A_232 = arith.constant 21 : i32
        %mul3A_233 = arith.muli %scan3A_36, %mul3A_232 : i32
        %add3A_234 = arith.constant 5 : i32
        %add3A_235 = arith.addi %mul3A_233, %add3A_234 : i32
        %get3A_236 = arith.index_cast %add3A_235 : i32 to index
        %get3A_237 = arith.constant 0 : index
        %get3A_238 = tpu.vector_load %arg10[%get3A_236, %get3A_237] {strides = array<i32>} : memref<672x64xf32, #tpu.memory_space<vmem>>, vector<16xf32>,
        %mul3A_239 = arith.mulf %get3A_38, %get3A_238 : vector<16xf32>
        %mul3A_240 = arith.constant 21 : i32
        %mul3A_241 = arith.muli %scan3A_36, %mul3A_240 : i32
        %add3A_242 = arith.constant 5 : i32
        %add3A_243 = arith.addi %mul3A_241, %add3A_242 : i32
        %get3A_244 = arith.index_cast %add3A_243 : i32 to index
        %get3A_245 = arith.constant 16 : index
        %get3A_246 = tpu.vector_load %arg10[%get3A_244, %get3A_245] {strides = array<i32>} : memref<672x64xf32, #tpu.memory_space<vmem>>, vector<16xf32>,
        %mul3A_247 = arith.mulf %get3A_41, %get3A_246 : vector<16xf32>
        %add3A_248 = arith.addf %mul3A_239, %mul3A_247 : vector<16xf32>
        %mul3A_249 = arith.constant 21 : i32
        %mul3A_250 = arith.muli %scan3A_36, %mul3A_249 : i32
        %add3A_251 = arith.constant 5 : i32
        %add3A_252 = arith.addi %mul3A_250, %add3A_251 : i32
        %get3A_253 = arith.index_cast %add3A_252 : i32 to index
        %get3A_254 = arith.constant 32 : index
        %get3A_255 = tpu.vector_load %arg10[%get3A_253, %get3A_254] {strides = array<i32>} : memref<672x64xf32, #tpu.memory_space<vmem>>, vector<16xf32>,
        %mul3A_256 = arith.mulf %get3A_44, %get3A_255 : vector<16xf32>
        %add3A_257 = arith.addf %add3A_248, %mul3A_256 : vector<16xf32>
        %mul3A_258 = arith.constant 21 : i32
        %mul3A_259 = arith.muli %scan3A_36, %mul3A_258 : i32
        %add3A_260 = arith.constant 5 : i32
        %add3A_261 = arith.addi %mul3A_259, %add3A_260 : i32
        %get3A_262 = arith.index_cast %add3A_261 : i32 to index
        %get3A_263 = arith.constant 48 : index
        %get3A_264 = tpu.vector_load %arg10[%get3A_262, %get3A_263] {strides = array<i32>} : memref<672x64xf32, #tpu.memory_space<vmem>>, vector<16xf32>,
        %mul3A_265 = arith.mulf %get3A_47, %get3A_264 : vector<16xf32>
        %add3A_266 = arith.addf %add3A_257, %mul3A_265 : vector<16xf32>
        %swap3A_267 = arith.constant 80 : index
        %swap3A_268 = tpu.vector_load %arg12[%swap3A_267] {strides = array<i32>} : memref<256xf32, #tpu.memory_space<vmem>>, vector<16xf32>,
        tpu.vector_store %arg12[%swap3A_267], %add3A_266 {strides = array<i32>} : memref<256xf32, #tpu.memory_space<vmem>>, vector<16xf32>,
        %mul3A_269 = arith.constant 21 : i32
        %mul3A_270 = arith.muli %scan3A_36, %mul3A_269 : i32
        %add3A_271 = arith.constant 6 : i32
        %add3A_272 = arith.addi %mul3A_270, %add3A_271 : i32
        %get3A_273 = arith.index_cast %add3A_272 : i32 to index
        %get3A_274 = arith.constant 0 : index
        %get3A_275 = tpu.vector_load %arg10[%get3A_273, %get3A_274] {strides = array<i32>} : memref<672x64xf32, #tpu.memory_space<vmem>>, vector<16xf32>,
        %mul3A_276 = arith.mulf %get3A_38, %get3A_275 : vector<16xf32>
        %mul3A_277 = arith.constant 21 : i32
        %mul3A_278 = arith.muli %scan3A_36, %mul3A_277 : i32
        %add3A_279 = arith.constant 6 : i32
        %add3A_280 = arith.addi %mul3A_278, %add3A_279 : i32
        %get3A_281 = arith.index_cast %add3A_280 : i32 to index
        %get3A_282 = arith.constant 16 : index
        %get3A_283 = tpu.vector_load %arg10[%get3A_281, %get3A_282] {strides = array<i32>} : memref<672x64xf32, #tpu.memory_space<vmem>>, vector<16xf32>,
        %mul3A_284 = arith.mulf %get3A_41, %get3A_283 : vector<16xf32>
        %add3A_285 = arith.addf %mul3A_276, %mul3A_284 : vector<16xf32>
        %mul3A_286 = arith.constant 21 : i32
        %mul3A_287 = arith.muli %scan3A_36, %mul3A_286 : i32
        %add3A_288 = arith.constant 6 : i32
        %add3A_289 = arith.addi %mul3A_287, %add3A_288 : i32
        %get3A_290 = arith.index_cast %add3A_289 : i32 to index
        %get3A_291 = arith.constant 32 : index
        %get3A_292 = tpu.vector_load %arg10[%get3A_290, %get3A_291] {strides = array<i32>} : memref<672x64xf32, #tpu.memory_space<vmem>>, vector<16xf32>,
        %mul3A_293 = arith.mulf %get3A_44, %get3A_292 : vector<16xf32>
        %add3A_294 = arith.addf %add3A_285, %mul3A_293 : vector<16xf32>
        %mul3A_295 = arith.constant 21 : i32
        %mul3A_296 = arith.muli %scan3A_36, %mul3A_295 : i32
        %add3A_297 = arith.constant 6 : i32
        %add3A_298 = arith.addi %mul3A_296, %add3A_297 : i32
        %get3A_299 = arith.index_cast %add3A_298 : i32 to index
        %get3A_300 = arith.constant 48 : index
        %get3A_301 = tpu.vector_load %arg10[%get3A_299, %get3A_300] {strides = array<i32>} : memref<672x64xf32, #tpu.memory_space<vmem>>, vector<16xf32>,
        %mul3A_302 = arith.mulf %get3A_47, %get3A_301 : vector<16xf32>
        %add3A_303 = arith.addf %add3A_294, %mul3A_302 : vector<16xf32>
        %swap3A_304 = arith.constant 96 : index
        %swap3A_305 = tpu.vector_load %arg12[%swap3A_304] {strides = array<i32>} : memref<256xf32, #tpu.memory_space<vmem>>, vector<16xf32>,
        tpu.vector_store %arg12[%swap3A_304], %add3A_303 {strides = array<i32>} : memref<256xf32, #tpu.memory_space<vmem>>, vector<16xf32>,
        %mul3A_306 = arith.constant 21 : i32
        %mul3A_307 = arith.muli %scan3A_36, %mul3A_306 : i32
        %add3A_308 = arith.constant 7 : i32
        %add3A_309 = arith.addi %mul3A_307, %add3A_308 : i32
        %get3A_310 = arith.index_cast %add3A_309 : i32 to index
        %get3A_311 = arith.constant 0 : index
        %get3A_312 = tpu.vector_load %arg10[%get3A_310, %get3A_311] {strides = array<i32>} : memref<672x64xf32, #tpu.memory_space<vmem>>, vector<16xf32>,
        %mul3A_313 = arith.mulf %get3A_38, %get3A_312 : vector<16xf32>
        %mul3A_314 = arith.constant 21 : i32
        %mul3A_315 = arith.muli %scan3A_36, %mul3A_314 : i32
        %add3A_316 = arith.constant 7 : i32
        %add3A_317 = arith.addi %mul3A_315, %add3A_316 : i32
        %get3A_318 = arith.index_cast %add3A_317 : i32 to index
        %get3A_319 = arith.constant 16 : index
        %get3A_320 = tpu.vector_load %arg10[%get3A_318, %get3A_319] {strides = array<i32>} : memref<672x64xf32, #tpu.memory_space<vmem>>, vector<16xf32>,
        %mul3A_321 = arith.mulf %get3A_41, %get3A_320 : vector<16xf32>
        %add3A_322 = arith.addf %mul3A_313, %mul3A_321 : vector<16xf32>
        %mul3A_323 = arith.constant 21 : i32
        %mul3A_324 = arith.muli %scan3A_36, %mul3A_323 : i32
        %add3A_325 = arith.constant 7 : i32
        %add3A_326 = arith.addi %mul3A_324, %add3A_325 : i32
        %get3A_327 = arith.index_cast %add3A_326 : i32 to index
        %get3A_328 = arith.constant 32 : index
        %get3A_329 = tpu.vector_load %arg10[%get3A_327, %get3A_328] {strides = array<i32>} : memref<672x64xf32, #tpu.memory_space<vmem>>, vector<16xf32>,
        %mul3A_330 = arith.mulf %get3A_44, %get3A_329 : vector<16xf32>
        %add3A_331 = arith.addf %add3A_322, %mul3A_330 : vector<16xf32>
        %mul3A_332 = arith.constant 21 : i32
        %mul3A_333 = arith.muli %scan3A_36, %mul3A_332 : i32
        %add3A_334 = arith.constant 7 : i32
        %add3A_335 = arith.addi %mul3A_333, %add3A_334 : i32
        %get3A_336 = arith.index_cast %add3A_335 : i32 to index
        %get3A_337 = arith.constant 48 : index
        %get3A_338 = tpu.vector_load %arg10[%get3A_336, %get3A_337] {strides = array<i32>} : memref<672x64xf32, #tpu.memory_space<vmem>>, vector<16xf32>,
        %mul3A_339 = arith.mulf %get3A_47, %get3A_338 : vector<16xf32>
        %add3A_340 = arith.addf %add3A_331, %mul3A_339 : vector<16xf32>
        %swap3A_341 = arith.constant 112 : index
        %swap3A_342 = tpu.vector_load %arg12[%swap3A_341] {strides = array<i32>} : memref<256xf32, #tpu.memory_space<vmem>>, vector<16xf32>,
        tpu.vector_store %arg12[%swap3A_341], %add3A_340 {strides = array<i32>} : memref<256xf32, #tpu.memory_space<vmem>>, vector<16xf32>,
        %mul3A_343 = arith.constant 21 : i32
        %mul3A_344 = arith.muli %scan3A_36, %mul3A_343 : i32
        %add3A_345 = arith.constant 8 : i32
        %add3A_346 = arith.addi %mul3A_344, %add3A_345 : i32
        %get3A_347 = arith.index_cast %add3A_346 : i32 to index
        %get3A_348 = arith.constant 0 : index
        %get3A_349 = tpu.vector_load %arg10[%get3A_347, %get3A_348] {strides = array<i32>} : memref<672x64xf32, #tpu.memory_space<vmem>>, vector<16xf32>,
        %mul3A_350 = arith.mulf %get3A_38, %get3A_349 : vector<16xf32>
        %mul3A_351 = arith.constant 21 : i32
        %mul3A_352 = arith.muli %scan3A_36, %mul3A_351 : i32
        %add3A_353 = arith.constant 8 : i32
        %add3A_354 = arith.addi %mul3A_352, %add3A_353 : i32
        %get3A_355 = arith.index_cast %add3A_354 : i32 to index
        %get3A_356 = arith.constant 16 : index
        %get3A_357 = tpu.vector_load %arg10[%get3A_355, %get3A_356] {strides = array<i32>} : memref<672x64xf32, #tpu.memory_space<vmem>>, vector<16xf32>,
        %mul3A_358 = arith.mulf %get3A_41, %get3A_357 : vector<16xf32>
        %add3A_359 = arith.addf %mul3A_350, %mul3A_358 : vector<16xf32>
        %mul3A_360 = arith.constant 21 : i32
        %mul3A_361 = arith.muli %scan3A_36, %mul3A_360 : i32
        %add3A_362 = arith.constant 8 : i32
        %add3A_363 = arith.addi %mul3A_361, %add3A_362 : i32
        %get3A_364 = arith.index_cast %add3A_363 : i32 to index
        %get3A_365 = arith.constant 32 : index
        %get3A_366 = tpu.vector_load %arg10[%get3A_364, %get3A_365] {strides = array<i32>} : memref<672x64xf32, #tpu.memory_space<vmem>>, vector<16xf32>,
        %mul3A_367 = arith.mulf %get3A_44, %get3A_366 : vector<16xf32>
        %add3A_368 = arith.addf %add3A_359, %mul3A_367 : vector<16xf32>
        %mul3A_369 = arith.constant 21 : i32
        %mul3A_370 = arith.muli %scan3A_36, %mul3A_369 : i32
        %add3A_371 = arith.constant 8 : i32
        %add3A_372 = arith.addi %mul3A_370, %add3A_371 : i32
        %get3A_373 = arith.index_cast %add3A_372 : i32 to index
        %get3A_374 = arith.constant 48 : index
        %get3A_375 = tpu.vector_load %arg10[%get3A_373, %get3A_374] {strides = array<i32>} : memref<672x64xf32, #tpu.memory_space<vmem>>, vector<16xf32>,
        %mul3A_376 = arith.mulf %get3A_47, %get3A_375 : vector<16xf32>
        %add3A_377 = arith.addf %add3A_368, %mul3A_376 : vector<16xf32>
        %swap3A_378 = arith.constant 128 : index
        %swap3A_379 = tpu.vector_load %arg12[%swap3A_378] {strides = array<i32>} : memref<256xf32, #tpu.memory_space<vmem>>, vector<16xf32>,
        tpu.vector_store %arg12[%swap3A_378], %add3A_377 {strides = array<i32>} : memref<256xf32, #tpu.memory_space<vmem>>, vector<16xf32>,
        %mul3A_380 = arith.constant 21 : i32
        %mul3A_381 = arith.muli %scan3A_36, %mul3A_380 : i32
        %add3A_382 = arith.constant 9 : i32
        %add3A_383 = arith.addi %mul3A_381, %add3A_382 : i32
        %get3A_384 = arith.index_cast %add3A_383 : i32 to index
        %get3A_385 = arith.constant 0 : index
        %get3A_386 = tpu.vector_load %arg10[%get3A_384, %get3A_385] {strides = array<i32>} : memref<672x64xf32, #tpu.memory_space<vmem>>, vector<16xf32>,
        %mul3A_387 = arith.mulf %get3A_38, %get3A_386 : vector<16xf32>
        %mul3A_388 = arith.constant 21 : i32
        %mul3A_389 = arith.muli %scan3A_36, %mul3A_388 : i32
        %add3A_390 = arith.constant 9 : i32
        %add3A_391 = arith.addi %mul3A_389, %add3A_390 : i32
        %get3A_392 = arith.index_cast %add3A_391 : i32 to index
        %get3A_393 = arith.constant 16 : index
        %get3A_394 = tpu.vector_load %arg10[%get3A_392, %get3A_393] {strides = array<i32>} : memref<672x64xf32, #tpu.memory_space<vmem>>, vector<16xf32>,
        %mul3A_395 = arith.mulf %get3A_41, %get3A_394 : vector<16xf32>
        %add3A_396 = arith.addf %mul3A_387, %mul3A_395 : vector<16xf32>
        %mul3A_397 = arith.constant 21 : i32
        %mul3A_398 = arith.muli %scan3A_36, %mul3A_397 : i32
        %add3A_399 = arith.constant 9 : i32
        %add3A_400 = arith.addi %mul3A_398, %add3A_399 : i32
        %get3A_401 = arith.index_cast %add3A_400 : i32 to index
        %get3A_402 = arith.constant 32 : index
        %get3A_403 = tpu.vector_load %arg10[%get3A_401, %get3A_402] {strides = array<i32>} : memref<672x64xf32, #tpu.memory_space<vmem>>, vector<16xf32>,
        %mul3A_404 = arith.mulf %get3A_44, %get3A_403 : vector<16xf32>
        %add3A_405 = arith.addf %add3A_396, %mul3A_404 : vector<16xf32>
        %mul3A_406 = arith.constant 21 : i32
        %mul3A_407 = arith.muli %scan3A_36, %mul3A_406 : i32
        %add3A_408 = arith.constant 9 : i32
        %add3A_409 = arith.addi %mul3A_407, %add3A_408 : i32
        %get3A_410 = arith.index_cast %add3A_409 : i32 to index
        %get3A_411 = arith.constant 48 : index
        %get3A_412 = tpu.vector_load %arg10[%get3A_410, %get3A_411] {strides = array<i32>} : memref<672x64xf32, #tpu.memory_space<vmem>>, vector<16xf32>,
        %mul3A_413 = arith.mulf %get3A_47, %get3A_412 : vector<16xf32>
        %add3A_414 = arith.addf %add3A_405, %mul3A_413 : vector<16xf32>
        %swap3A_415 = arith.constant 144 : index
        %swap3A_416 = tpu.vector_load %arg12[%swap3A_415] {strides = array<i32>} : memref<256xf32, #tpu.memory_space<vmem>>, vector<16xf32>,
        tpu.vector_store %arg12[%swap3A_415], %add3A_414 {strides = array<i32>} : memref<256xf32, #tpu.memory_space<vmem>>, vector<16xf32>,
        %mul3A_417 = arith.constant 21 : i32
        %mul3A_418 = arith.muli %scan3A_36, %mul3A_417 : i32
        %add3A_419 = arith.constant 10 : i32
        %add3A_420 = arith.addi %mul3A_418, %add3A_419 : i32
        %get3A_421 = arith.index_cast %add3A_420 : i32 to index
        %get3A_422 = arith.constant 0 : index
        %get3A_423 = tpu.vector_load %arg10[%get3A_421, %get3A_422] {strides = array<i32>} : memref<672x64xf32, #tpu.memory_space<vmem>>, vector<16xf32>,
        %mul3A_424 = arith.mulf %get3A_38, %get3A_423 : vector<16xf32>
        %mul3A_425 = arith.constant 21 : i32
        %mul3A_426 = arith.muli %scan3A_36, %mul3A_425 : i32
        %add3A_427 = arith.constant 10 : i32
        %add3A_428 = arith.addi %mul3A_426, %add3A_427 : i32
        %get3A_429 = arith.index_cast %add3A_428 : i32 to index
        %get3A_430 = arith.constant 16 : index
        %get3A_431 = tpu.vector_load %arg10[%get3A_429, %get3A_430] {strides = array<i32>} : memref<672x64xf32, #tpu.memory_space<vmem>>, vector<16xf32>,
        %mul3A_432 = arith.mulf %get3A_41, %get3A_431 : vector<16xf32>
        %add3A_433 = arith.addf %mul3A_424, %mul3A_432 : vector<16xf32>
        %mul3A_434 = arith.constant 21 : i32
        %mul3A_435 = arith.muli %scan3A_36, %mul3A_434 : i32
        %add3A_436 = arith.constant 10 : i32
        %add3A_437 = arith.addi %mul3A_435, %add3A_436 : i32
        %get3A_438 = arith.index_cast %add3A_437 : i32 to index
        %get3A_439 = arith.constant 32 : index
        %get3A_440 = tpu.vector_load %arg10[%get3A_438, %get3A_439] {strides = array<i32>} : memref<672x64xf32, #tpu.memory_space<vmem>>, vector<16xf32>,
        %mul3A_441 = arith.mulf %get3A_44, %get3A_440 : vector<16xf32>
        %add3A_442 = arith.addf %add3A_433, %mul3A_441 : vector<16xf32>
        %mul3A_443 = arith.constant 21 : i32
        %mul3A_444 = arith.muli %scan3A_36, %mul3A_443 : i32
        %add3A_445 = arith.constant 10 : i32
        %add3A_446 = arith.addi %mul3A_444, %add3A_445 : i32
        %get3A_447 = arith.index_cast %add3A_446 : i32 to index
        %get3A_448 = arith.constant 48 : index
        %get3A_449 = tpu.vector_load %arg10[%get3A_447, %get3A_448] {strides = array<i32>} : memref<672x64xf32, #tpu.memory_space<vmem>>, vector<16xf32>,
        %mul3A_450 = arith.mulf %get3A_47, %get3A_449 : vector<16xf32>
        %add3A_451 = arith.addf %add3A_442, %mul3A_450 : vector<16xf32>
        %swap3A_452 = arith.constant 160 : index
        %swap3A_453 = tpu.vector_load %arg12[%swap3A_452] {strides = array<i32>} : memref<256xf32, #tpu.memory_space<vmem>>, vector<16xf32>,
        tpu.vector_store %arg12[%swap3A_452], %add3A_451 {strides = array<i32>} : memref<256xf32, #tpu.memory_space<vmem>>, vector<16xf32>,
        %mul3A_454 = arith.constant 21 : i32
        %mul3A_455 = arith.muli %scan3A_36, %mul3A_454 : i32
        %add3A_456 = arith.constant 11 : i32
        %add3A_457 = arith.addi %mul3A_455, %add3A_456 : i32
        %get3A_458 = arith.index_cast %add3A_457 : i32 to index
        %get3A_459 = arith.constant 0 : index
        %get3A_460 = tpu.vector_load %arg10[%get3A_458, %get3A_459] {strides = array<i32>} : memref<672x64xf32, #tpu.memory_space<vmem>>, vector<16xf32>,
        %mul3A_461 = arith.mulf %get3A_38, %get3A_460 : vector<16xf32>
        %mul3A_462 = arith.constant 21 : i32
        %mul3A_463 = arith.muli %scan3A_36, %mul3A_462 : i32
        %add3A_464 = arith.constant 11 : i32
        %add3A_465 = arith.addi %mul3A_463, %add3A_464 : i32
        %get3A_466 = arith.index_cast %add3A_465 : i32 to index
        %get3A_467 = arith.constant 16 : index
        %get3A_468 = tpu.vector_load %arg10[%get3A_466, %get3A_467] {strides = array<i32>} : memref<672x64xf32, #tpu.memory_space<vmem>>, vector<16xf32>,
        %mul3A_469 = arith.mulf %get3A_41, %get3A_468 : vector<16xf32>
        %add3A_470 = arith.addf %mul3A_461, %mul3A_469 : vector<16xf32>
        %mul3A_471 = arith.constant 21 : i32
        %mul3A_472 = arith.muli %scan3A_36, %mul3A_471 : i32
        %add3A_473 = arith.constant 11 : i32
        %add3A_474 = arith.addi %mul3A_472, %add3A_473 : i32
        %get3A_475 = arith.index_cast %add3A_474 : i32 to index
        %get3A_476 = arith.constant 32 : index
        %get3A_477 = tpu.vector_load %arg10[%get3A_475, %get3A_476] {strides = array<i32>} : memref<672x64xf32, #tpu.memory_space<vmem>>, vector<16xf32>,
        %mul3A_478 = arith.mulf %get3A_44, %get3A_477 : vector<16xf32>
        %add3A_479 = arith.addf %add3A_470, %mul3A_478 : vector<16xf32>
        %mul3A_480 = arith.constant 21 : i32
        %mul3A_481 = arith.muli %scan3A_36, %mul3A_480 : i32
        %add3A_482 = arith.constant 11 : i32
        %add3A_483 = arith.addi %mul3A_481, %add3A_482 : i32
        %get3A_484 = arith.index_cast %add3A_483 : i32 to index
        %get3A_485 = arith.constant 48 : index
        %get3A_486 = tpu.vector_load %arg10[%get3A_484, %get3A_485] {strides = array<i32>} : memref<672x64xf32, #tpu.memory_space<vmem>>, vector<16xf32>,
        %mul3A_487 = arith.mulf %get3A_47, %get3A_486 : vector<16xf32>
        %add3A_488 = arith.addf %add3A_479, %mul3A_487 : vector<16xf32>
        %swap3A_489 = arith.constant 176 : index
        %swap3A_490 = tpu.vector_load %arg12[%swap3A_489] {strides = array<i32>} : memref<256xf32, #tpu.memory_space<vmem>>, vector<16xf32>,
        tpu.vector_store %arg12[%swap3A_489], %add3A_488 {strides = array<i32>} : memref<256xf32, #tpu.memory_space<vmem>>, vector<16xf32>,
        %mul3A_491 = arith.constant 21 : i32
        %mul3A_492 = arith.muli %scan3A_36, %mul3A_491 : i32
        %add3A_493 = arith.constant 12 : i32
        %add3A_494 = arith.addi %mul3A_492, %add3A_493 : i32
        %get3A_495 = arith.index_cast %add3A_494 : i32 to index
        %get3A_496 = arith.constant 0 : index
        %get3A_497 = tpu.vector_load %arg10[%get3A_495, %get3A_496] {strides = array<i32>} : memref<672x64xf32, #tpu.memory_space<vmem>>, vector<16xf32>,
        %mul3A_498 = arith.mulf %get3A_38, %get3A_497 : vector<16xf32>
        %mul3A_499 = arith.constant 21 : i32
        %mul3A_500 = arith.muli %scan3A_36, %mul3A_499 : i32
        %add3A_501 = arith.constant 12 : i32
        %add3A_502 = arith.addi %mul3A_500, %add3A_501 : i32
        %get3A_503 = arith.index_cast %add3A_502 : i32 to index
        %get3A_504 = arith.constant 16 : index
        %get3A_505 = tpu.vector_load %arg10[%get3A_503, %get3A_504] {strides = array<i32>} : memref<672x64xf32, #tpu.memory_space<vmem>>, vector<16xf32>,
        %mul3A_506 = arith.mulf %get3A_41, %get3A_505 : vector<16xf32>
        %add3A_507 = arith.addf %mul3A_498, %mul3A_506 : vector<16xf32>
        %mul3A_508 = arith.constant 21 : i32
        %mul3A_509 = arith.muli %scan3A_36, %mul3A_508 : i32
        %add3A_510 = arith.constant 12 : i32
        %add3A_511 = arith.addi %mul3A_509, %add3A_510 : i32
        %get3A_512 = arith.index_cast %add3A_511 : i32 to index
        %get3A_513 = arith.constant 32 : index
        %get3A_514 = tpu.vector_load %arg10[%get3A_512, %get3A_513] {strides = array<i32>} : memref<672x64xf32, #tpu.memory_space<vmem>>, vector<16xf32>,
        %mul3A_515 = arith.mulf %get3A_44, %get3A_514 : vector<16xf32>
        %add3A_516 = arith.addf %add3A_507, %mul3A_515 : vector<16xf32>
        %mul3A_517 = arith.constant 21 : i32
        %mul3A_518 = arith.muli %scan3A_36, %mul3A_517 : i32
        %add3A_519 = arith.constant 12 : i32
        %add3A_520 = arith.addi %mul3A_518, %add3A_519 : i32
        %get3A_521 = arith.index_cast %add3A_520 : i32 to index
        %get3A_522 = arith.constant 48 : index
        %get3A_523 = tpu.vector_load %arg10[%get3A_521, %get3A_522] {strides = array<i32>} : memref<672x64xf32, #tpu.memory_space<vmem>>, vector<16xf32>,
        %mul3A_524 = arith.mulf %get3A_47, %get3A_523 : vector<16xf32>
        %add3A_525 = arith.addf %add3A_516, %mul3A_524 : vector<16xf32>
        %swap3A_526 = arith.constant 192 : index
        %swap3A_527 = tpu.vector_load %arg12[%swap3A_526] {strides = array<i32>} : memref<256xf32, #tpu.memory_space<vmem>>, vector<16xf32>,
        tpu.vector_store %arg12[%swap3A_526], %add3A_525 {strides = array<i32>} : memref<256xf32, #tpu.memory_space<vmem>>, vector<16xf32>,
        %mul3A_528 = arith.constant 21 : i32
        %mul3A_529 = arith.muli %scan3A_36, %mul3A_528 : i32
        %add3A_530 = arith.constant 13 : i32
        %add3A_531 = arith.addi %mul3A_529, %add3A_530 : i32
        %get3A_532 = arith.index_cast %add3A_531 : i32 to index
        %get3A_533 = arith.constant 0 : index
        %get3A_534 = tpu.vector_load %arg10[%get3A_532, %get3A_533] {strides = array<i32>} : memref<672x64xf32, #tpu.memory_space<vmem>>, vector<16xf32>,
        %mul3A_535 = arith.mulf %get3A_38, %get3A_534 : vector<16xf32>
        %mul3A_536 = arith.constant 21 : i32
        %mul3A_537 = arith.muli %scan3A_36, %mul3A_536 : i32
        %add3A_538 = arith.constant 13 : i32
        %add3A_539 = arith.addi %mul3A_537, %add3A_538 : i32
        %get3A_540 = arith.index_cast %add3A_539 : i32 to index
        %get3A_541 = arith.constant 16 : index
        %get3A_542 = tpu.vector_load %arg10[%get3A_540, %get3A_541] {strides = array<i32>} : memref<672x64xf32, #tpu.memory_space<vmem>>, vector<16xf32>,
        %mul3A_543 = arith.mulf %get3A_41, %get3A_542 : vector<16xf32>
        %add3A_544 = arith.addf %mul3A_535, %mul3A_543 : vector<16xf32>
        %mul3A_545 = arith.constant 21 : i32
        %mul3A_546 = arith.muli %scan3A_36, %mul3A_545 : i32
        %add3A_547 = arith.constant 13 : i32
        %add3A_548 = arith.addi %mul3A_546, %add3A_547 : i32
        %get3A_549 = arith.index_cast %add3A_548 : i32 to index
        %get3A_550 = arith.constant 32 : index
        %get3A_551 = tpu.vector_load %arg10[%get3A_549, %get3A_550] {strides = array<i32>} : memref<672x64xf32, #tpu.memory_space<vmem>>, vector<16xf32>,
        %mul3A_552 = arith.mulf %get3A_44, %get3A_551 : vector<16xf32>
        %add3A_553 = arith.addf %add3A_544, %mul3A_552 : vector<16xf32>
        %mul3A_554 = arith.constant 21 : i32
        %mul3A_555 = arith.muli %scan3A_36, %mul3A_554 : i32
        %add3A_556 = arith.constant 13 : i32
        %add3A_557 = arith.addi %mul3A_555, %add3A_556 : i32
        %get3A_558 = arith.index_cast %add3A_557 : i32 to index
        %get3A_559 = arith.constant 48 : index
        %get3A_560 = tpu.vector_load %arg10[%get3A_558, %get3A_559] {strides = array<i32>} : memref<672x64xf32, #tpu.memory_space<vmem>>, vector<16xf32>,
        %mul3A_561 = arith.mulf %get3A_47, %get3A_560 : vector<16xf32>
        %add3A_562 = arith.addf %add3A_553, %mul3A_561 : vector<16xf32>
        %swap3A_563 = arith.constant 208 : index
        %swap3A_564 = tpu.vector_load %arg12[%swap3A_563] {strides = array<i32>} : memref<256xf32, #tpu.memory_space<vmem>>, vector<16xf32>,
        tpu.vector_store %arg12[%swap3A_563], %add3A_562 {strides = array<i32>} : memref<256xf32, #tpu.memory_space<vmem>>, vector<16xf32>,
        %mul3A_565 = arith.constant 21 : i32
        %mul3A_566 = arith.muli %scan3A_36, %mul3A_565 : i32
        %add3A_567 = arith.constant 14 : i32
        %add3A_568 = arith.addi %mul3A_566, %add3A_567 : i32
        %get3A_569 = arith.index_cast %add3A_568 : i32 to index
        %get3A_570 = arith.constant 0 : index
        %get3A_571 = tpu.vector_load %arg10[%get3A_569, %get3A_570] {strides = array<i32>} : memref<672x64xf32, #tpu.memory_space<vmem>>, vector<16xf32>,
        %mul3A_572 = arith.mulf %get3A_38, %get3A_571 : vector<16xf32>
        %mul3A_573 = arith.constant 21 : i32
        %mul3A_574 = arith.muli %scan3A_36, %mul3A_573 : i32
        %add3A_575 = arith.constant 14 : i32
        %add3A_576 = arith.addi %mul3A_574, %add3A_575 : i32
        %get3A_577 = arith.index_cast %add3A_576 : i32 to index
        %get3A_578 = arith.constant 16 : index
        %get3A_579 = tpu.vector_load %arg10[%get3A_577, %get3A_578] {strides = array<i32>} : memref<672x64xf32, #tpu.memory_space<vmem>>, vector<16xf32>,
        %mul3A_580 = arith.mulf %get3A_41, %get3A_579 : vector<16xf32>
        %add3A_581 = arith.addf %mul3A_572, %mul3A_580 : vector<16xf32>
        %mul3A_582 = arith.constant 21 : i32
        %mul3A_583 = arith.muli %scan3A_36, %mul3A_582 : i32
        %add3A_584 = arith.constant 14 : i32
        %add3A_585 = arith.addi %mul3A_583, %add3A_584 : i32
        %get3A_586 = arith.index_cast %add3A_585 : i32 to index
        %get3A_587 = arith.constant 32 : index
        %get3A_588 = tpu.vector_load %arg10[%get3A_586, %get3A_587] {strides = array<i32>} : memref<672x64xf32, #tpu.memory_space<vmem>>, vector<16xf32>,
        %mul3A_589 = arith.mulf %get3A_44, %get3A_588 : vector<16xf32>
        %add3A_590 = arith.addf %add3A_581, %mul3A_589 : vector<16xf32>
        %mul3A_591 = arith.constant 21 : i32
        %mul3A_592 = arith.muli %scan3A_36, %mul3A_591 : i32
        %add3A_593 = arith.constant 14 : i32
        %add3A_594 = arith.addi %mul3A_592, %add3A_593 : i32
        %get3A_595 = arith.index_cast %add3A_594 : i32 to index
        %get3A_596 = arith.constant 48 : index
        %get3A_597 = tpu.vector_load %arg10[%get3A_595, %get3A_596] {strides = array<i32>} : memref<672x64xf32, #tpu.memory_space<vmem>>, vector<16xf32>,
        %mul3A_598 = arith.mulf %get3A_47, %get3A_597 : vector<16xf32>
        %add3A_599 = arith.addf %add3A_590, %mul3A_598 : vector<16xf32>
        %swap3A_600 = arith.constant 224 : index
        %swap3A_601 = tpu.vector_load %arg12[%swap3A_600] {strides = array<i32>} : memref<256xf32, #tpu.memory_space<vmem>>, vector<16xf32>,
        tpu.vector_store %arg12[%swap3A_600], %add3A_599 {strides = array<i32>} : memref<256xf32, #tpu.memory_space<vmem>>, vector<16xf32>,
        %mul3A_602 = arith.constant 21 : i32
        %mul3A_603 = arith.muli %scan3A_36, %mul3A_602 : i32
        %add3A_604 = arith.constant 15 : i32
        %add3A_605 = arith.addi %mul3A_603, %add3A_604 : i32
        %get3A_606 = arith.index_cast %add3A_605 : i32 to index
        %get3A_607 = arith.constant 0 : index
        %get3A_608 = tpu.vector_load %arg10[%get3A_606, %get3A_607] {strides = array<i32>} : memref<672x64xf32, #tpu.memory_space<vmem>>, vector<16xf32>,
        %mul3A_609 = arith.mulf %get3A_38, %get3A_608 : vector<16xf32>
        %mul3A_610 = arith.constant 21 : i32
        %mul3A_611 = arith.muli %scan3A_36, %mul3A_610 : i32
        %add3A_612 = arith.constant 15 : i32
        %add3A_613 = arith.addi %mul3A_611, %add3A_612 : i32
        %get3A_614 = arith.index_cast %add3A_613 : i32 to index
        %get3A_615 = arith.constant 16 : index
        %get3A_616 = tpu.vector_load %arg10[%get3A_614, %get3A_615] {strides = array<i32>} : memref<672x64xf32, #tpu.memory_space<vmem>>, vector<16xf32>,
        %mul3A_617 = arith.mulf %get3A_41, %get3A_616 : vector<16xf32>
        %add3A_618 = arith.addf %mul3A_609, %mul3A_617 : vector<16xf32>
        %mul3A_619 = arith.constant 21 : i32
        %mul3A_620 = arith.muli %scan3A_36, %mul3A_619 : i32
        %add3A_621 = arith.constant 15 : i32
        %add3A_622 = arith.addi %mul3A_620, %add3A_621 : i32
        %get3A_623 = arith.index_cast %add3A_622 : i32 to index
        %get3A_624 = arith.constant 32 : index
        %get3A_625 = tpu.vector_load %arg10[%get3A_623, %get3A_624] {strides = array<i32>} : memref<672x64xf32, #tpu.memory_space<vmem>>, vector<16xf32>,
        %mul3A_626 = arith.mulf %get3A_44, %get3A_625 : vector<16xf32>
        %add3A_627 = arith.addf %add3A_618, %mul3A_626 : vector<16xf32>
        %mul3A_628 = arith.constant 21 : i32
        %mul3A_629 = arith.muli %scan3A_36, %mul3A_628 : i32
        %add3A_630 = arith.constant 15 : i32
        %add3A_631 = arith.addi %mul3A_629, %add3A_630 : i32
        %get3A_632 = arith.index_cast %add3A_631 : i32 to index
        %get3A_633 = arith.constant 48 : index
        %get3A_634 = tpu.vector_load %arg10[%get3A_632, %get3A_633] {strides = array<i32>} : memref<672x64xf32, #tpu.memory_space<vmem>>, vector<16xf32>,
        %mul3A_635 = arith.mulf %get3A_47, %get3A_634 : vector<16xf32>
        %add3A_636 = arith.addf %add3A_627, %mul3A_635 : vector<16xf32>
        %swap3A_637 = arith.constant 240 : index
        %swap3A_638 = tpu.vector_load %arg12[%swap3A_637] {strides = array<i32>} : memref<256xf32, #tpu.memory_space<vmem>>, vector<16xf32>,
        tpu.vector_store %arg12[%swap3A_637], %add3A_636 {strides = array<i32>} : memref<256xf32, #tpu.memory_space<vmem>>, vector<16xf32>,
        %add3A_639 = arith.constant 0 : i32
        %add3A_640 = vector.broadcast %add3A_639 : i32 to vector<16xi32>
        %add3A_641 = arith.addi %mul3A_3, %add3A_640 : vector<16xi32>
        %gather3A = tpu.vector_load_idx %arg12[%add3A_641] : memref<256xf32, #tpu.memory_space<vmem>>[vector<16xi32>], vector<16xf32>,
        %add3A_642 = arith.addf %broadcast_in_dim3A_4, %gather3A : vector<16xf32>
        %add3A_643 = arith.constant 1 : i32
        %add3A_644 = vector.broadcast %add3A_643 : i32 to vector<16xi32>
        %add3A_645 = arith.addi %mul3A_3, %add3A_644 : vector<16xi32>
        %gather3A_646 = tpu.vector_load_idx %arg12[%add3A_645] : memref<256xf32, #tpu.memory_space<vmem>>[vector<16xi32>], vector<16xf32>,
        %add3A_647 = arith.addf %add3A_642, %gather3A_646 : vector<16xf32>
        %add3A_648 = arith.constant 2 : i32
        %add3A_649 = vector.broadcast %add3A_648 : i32 to vector<16xi32>
        %add3A_650 = arith.addi %mul3A_3, %add3A_649 : vector<16xi32>
        %gather3A_651 = tpu.vector_load_idx %arg12[%add3A_650] : memref<256xf32, #tpu.memory_space<vmem>>[vector<16xi32>], vector<16xf32>,
        %add3A_652 = arith.addf %add3A_647, %gather3A_651 : vector<16xf32>
        %add3A_653 = arith.constant 3 : i32
        %add3A_654 = vector.broadcast %add3A_653 : i32 to vector<16xi32>
        %add3A_655 = arith.addi %mul3A_3, %add3A_654 : vector<16xi32>
        %gather3A_656 = tpu.vector_load_idx %arg12[%add3A_655] : memref<256xf32, #tpu.memory_space<vmem>>[vector<16xi32>], vector<16xf32>,
        %add3A_657 = arith.addf %add3A_652, %gather3A_656 : vector<16xf32>
        %add3A_658 = arith.constant 4 : i32
        %add3A_659 = vector.broadcast %add3A_658 : i32 to vector<16xi32>
        %add3A_660 = arith.addi %mul3A_3, %add3A_659 : vector<16xi32>
        %gather3A_661 = tpu.vector_load_idx %arg12[%add3A_660] : memref<256xf32, #tpu.memory_space<vmem>>[vector<16xi32>], vector<16xf32>,
        %add3A_662 = arith.addf %add3A_657, %gather3A_661 : vector<16xf32>
        %add3A_663 = arith.constant 5 : i32
        %add3A_664 = vector.broadcast %add3A_663 : i32 to vector<16xi32>
        %add3A_665 = arith.addi %mul3A_3, %add3A_664 : vector<16xi32>
        %gather3A_666 = tpu.vector_load_idx %arg12[%add3A_665] : memref<256xf32, #tpu.memory_space<vmem>>[vector<16xi32>], vector<16xf32>,
        %add3A_667 = arith.addf %add3A_662, %gather3A_666 : vector<16xf32>
        %add3A_668 = arith.constant 6 : i32
        %add3A_669 = vector.broadcast %add3A_668 : i32 to vector<16xi32>
        %add3A_670 = arith.addi %mul3A_3, %add3A_669 : vector<16xi32>
        %gather3A_671 = tpu.vector_load_idx %arg12[%add3A_670] : memref<256xf32, #tpu.memory_space<vmem>>[vector<16xi32>], vector<16xf32>,
        %add3A_672 = arith.addf %add3A_667, %gather3A_671 : vector<16xf32>
        %add3A_673 = arith.constant 7 : i32
        %add3A_674 = vector.broadcast %add3A_673 : i32 to vector<16xi32>
        %add3A_675 = arith.addi %mul3A_3, %add3A_674 : vector<16xi32>
        %gather3A_676 = tpu.vector_load_idx %arg12[%add3A_675] : memref<256xf32, #tpu.memory_space<vmem>>[vector<16xi32>], vector<16xf32>,
        %add3A_677 = arith.addf %add3A_672, %gather3A_676 : vector<16xf32>
        %add3A_678 = arith.constant 8 : i32
        %add3A_679 = vector.broadcast %add3A_678 : i32 to vector<16xi32>
        %add3A_680 = arith.addi %mul3A_3, %add3A_679 : vector<16xi32>
        %gather3A_681 = tpu.vector_load_idx %arg12[%add3A_680] : memref<256xf32, #tpu.memory_space<vmem>>[vector<16xi32>], vector<16xf32>,
        %add3A_682 = arith.addf %add3A_677, %gather3A_681 : vector<16xf32>
        %add3A_683 = arith.constant 9 : i32
        %add3A_684 = vector.broadcast %add3A_683 : i32 to vector<16xi32>
        %add3A_685 = arith.addi %mul3A_3, %add3A_684 : vector<16xi32>
        %gather3A_686 = tpu.vector_load_idx %arg12[%add3A_685] : memref<256xf32, #tpu.memory_space<vmem>>[vector<16xi32>], vector<16xf32>,
        %add3A_687 = arith.addf %add3A_682, %gather3A_686 : vector<16xf32>
        %add3A_688 = arith.constant 10 : i32
        %add3A_689 = vector.broadcast %add3A_688 : i32 to vector<16xi32>
        %add3A_690 = arith.addi %mul3A_3, %add3A_689 : vector<16xi32>
        %gather3A_691 = tpu.vector_load_idx %arg12[%add3A_690] : memref<256xf32, #tpu.memory_space<vmem>>[vector<16xi32>], vector<16xf32>,
        %add3A_692 = arith.addf %add3A_687, %gather3A_691 : vector<16xf32>
        %add3A_693 = arith.constant 11 : i32
        %add3A_694 = vector.broadcast %add3A_693 : i32 to vector<16xi32>
        %add3A_695 = arith.addi %mul3A_3, %add3A_694 : vector<16xi32>
        %gather3A_696 = tpu.vector_load_idx %arg12[%add3A_695] : memref<256xf32, #tpu.memory_space<vmem>>[vector<16xi32>], vector<16xf32>,
        %add3A_697 = arith.addf %add3A_692, %gather3A_696 : vector<16xf32>
        %add3A_698 = arith.constant 12 : i32
        %add3A_699 = vector.broadcast %add3A_698 : i32 to vector<16xi32>
        %add3A_700 = arith.addi %mul3A_3, %add3A_699 : vector<16xi32>
        %gather3A_701 = tpu.vector_load_idx %arg12[%add3A_700] : memref<256xf32, #tpu.memory_space<vmem>>[vector<16xi32>], vector<16xf32>,
        %add3A_702 = arith.addf %add3A_697, %gather3A_701 : vector<16xf32>
        %add3A_703 = arith.constant 13 : i32
        %add3A_704 = vector.broadcast %add3A_703 : i32 to vector<16xi32>
        %add3A_705 = arith.addi %mul3A_3, %add3A_704 : vector<16xi32>
        %gather3A_706 = tpu.vector_load_idx %arg12[%add3A_705] : memref<256xf32, #tpu.memory_space<vmem>>[vector<16xi32>], vector<16xf32>,
        %add3A_707 = arith.addf %add3A_702, %gather3A_706 : vector<16xf32>
        %add3A_708 = arith.constant 14 : i32
        %add3A_709 = vector.broadcast %add3A_708 : i32 to vector<16xi32>
        %add3A_710 = arith.addi %mul3A_3, %add3A_709 : vector<16xi32>
        %gather3A_711 = tpu.vector_load_idx %arg12[%add3A_710] : memref<256xf32, #tpu.memory_space<vmem>>[vector<16xi32>], vector<16xf32>,
        %add3A_712 = arith.addf %add3A_707, %gather3A_711 : vector<16xf32>
        %add3A_713 = arith.constant 15 : i32
        %add3A_714 = vector.broadcast %add3A_713 : i32 to vector<16xi32>
        %add3A_715 = arith.addi %mul3A_3, %add3A_714 : vector<16xi32>
        %gather3A_716 = tpu.vector_load_idx %arg12[%add3A_715] : memref<256xf32, #tpu.memory_space<vmem>>[vector<16xi32>], vector<16xf32>,
        %add3A_717 = arith.addf %add3A_712, %gather3A_716 : vector<16xf32>
        %mul3A_718 = arith.constant 32 : i32
        %mul3A_719 = arith.muli %scan3A_36, %mul3A_718 : i32
        %swap3A_720 = arith.index_cast %mul3A_719 : i32 to index
        %swap3A_721 = tpu.vector_load %arg11[%swap3A_720] {strides = array<i32>} : memref<1024xf32, #tpu.memory_space<vmem>>, vector<16xf32>,
        tpu.vector_store %arg11[%swap3A_720], %add3A_717 {strides = array<i32>} : memref<1024xf32, #tpu.memory_space<vmem>>, vector<16xf32>,
        %mul3A_722 = arith.constant 21 : i32
        %mul3A_723 = arith.muli %scan3A_36, %mul3A_722 : i32
        %add3A_724 = arith.constant 16 : i32
        %add3A_725 = arith.addi %mul3A_723, %add3A_724 : i32
        %get3A_726 = arith.index_cast %add3A_725 : i32 to index
        %get3A_727 = arith.constant 0 : index
        %get3A_728 = tpu.vector_load %arg10[%get3A_726, %get3A_727] {strides = array<i32>} : memref<672x64xf32, #tpu.memory_space<vmem>>, vector<16xf32>,
        %mul3A_729 = arith.mulf %get3A_38, %get3A_728 : vector<16xf32>
        %mul3A_730 = arith.constant 21 : i32
        %mul3A_731 = arith.muli %scan3A_36, %mul3A_730 : i32
        %add3A_732 = arith.constant 16 : i32
        %add3A_733 = arith.addi %mul3A_731, %add3A_732 : i32
        %get3A_734 = arith.index_cast %add3A_733 : i32 to index
        %get3A_735 = arith.constant 16 : index
        %get3A_736 = tpu.vector_load %arg10[%get3A_734, %get3A_735] {strides = array<i32>} : memref<672x64xf32, #tpu.memory_space<vmem>>, vector<16xf32>,
        %mul3A_737 = arith.mulf %get3A_41, %get3A_736 : vector<16xf32>
        %add3A_738 = arith.addf %mul3A_729, %mul3A_737 : vector<16xf32>
        %mul3A_739 = arith.constant 21 : i32
        %mul3A_740 = arith.muli %scan3A_36, %mul3A_739 : i32
        %add3A_741 = arith.constant 16 : i32
        %add3A_742 = arith.addi %mul3A_740, %add3A_741 : i32
        %get3A_743 = arith.index_cast %add3A_742 : i32 to index
        %get3A_744 = arith.constant 32 : index
        %get3A_745 = tpu.vector_load %arg10[%get3A_743, %get3A_744] {strides = array<i32>} : memref<672x64xf32, #tpu.memory_space<vmem>>, vector<16xf32>,
        %mul3A_746 = arith.mulf %get3A_44, %get3A_745 : vector<16xf32>
        %add3A_747 = arith.addf %add3A_738, %mul3A_746 : vector<16xf32>
        %mul3A_748 = arith.constant 21 : i32
        %mul3A_749 = arith.muli %scan3A_36, %mul3A_748 : i32
        %add3A_750 = arith.constant 16 : i32
        %add3A_751 = arith.addi %mul3A_749, %add3A_750 : i32
        %get3A_752 = arith.index_cast %add3A_751 : i32 to index
        %get3A_753 = arith.constant 48 : index
        %get3A_754 = tpu.vector_load %arg10[%get3A_752, %get3A_753] {strides = array<i32>} : memref<672x64xf32, #tpu.memory_space<vmem>>, vector<16xf32>,
        %mul3A_755 = arith.mulf %get3A_47, %get3A_754 : vector<16xf32>
        %add3A_756 = arith.addf %add3A_747, %mul3A_755 : vector<16xf32>
        %swap3A_757 = arith.constant 0 : index
        %swap3A_758 = tpu.vector_load %arg12[%swap3A_757] {strides = array<i32>} : memref<256xf32, #tpu.memory_space<vmem>>, vector<16xf32>,
        tpu.vector_store %arg12[%swap3A_757], %add3A_756 {strides = array<i32>} : memref<256xf32, #tpu.memory_space<vmem>>, vector<16xf32>,
        %mul3A_759 = arith.constant 21 : i32
        %mul3A_760 = arith.muli %scan3A_36, %mul3A_759 : i32
        %add3A_761 = arith.constant 17 : i32
        %add3A_762 = arith.addi %mul3A_760, %add3A_761 : i32
        %get3A_763 = arith.index_cast %add3A_762 : i32 to index
        %get3A_764 = arith.constant 0 : index
        %get3A_765 = tpu.vector_load %arg10[%get3A_763, %get3A_764] {strides = array<i32>} : memref<672x64xf32, #tpu.memory_space<vmem>>, vector<16xf32>,
        %mul3A_766 = arith.mulf %get3A_38, %get3A_765 : vector<16xf32>
        %mul3A_767 = arith.constant 21 : i32
        %mul3A_768 = arith.muli %scan3A_36, %mul3A_767 : i32
        %add3A_769 = arith.constant 17 : i32
        %add3A_770 = arith.addi %mul3A_768, %add3A_769 : i32
        %get3A_771 = arith.index_cast %add3A_770 : i32 to index
        %get3A_772 = arith.constant 16 : index
        %get3A_773 = tpu.vector_load %arg10[%get3A_771, %get3A_772] {strides = array<i32>} : memref<672x64xf32, #tpu.memory_space<vmem>>, vector<16xf32>,
        %mul3A_774 = arith.mulf %get3A_41, %get3A_773 : vector<16xf32>
        %add3A_775 = arith.addf %mul3A_766, %mul3A_774 : vector<16xf32>
        %mul3A_776 = arith.constant 21 : i32
        %mul3A_777 = arith.muli %scan3A_36, %mul3A_776 : i32
        %add3A_778 = arith.constant 17 : i32
        %add3A_779 = arith.addi %mul3A_777, %add3A_778 : i32
        %get3A_780 = arith.index_cast %add3A_779 : i32 to index
        %get3A_781 = arith.constant 32 : index
        %get3A_782 = tpu.vector_load %arg10[%get3A_780, %get3A_781] {strides = array<i32>} : memref<672x64xf32, #tpu.memory_space<vmem>>, vector<16xf32>,
        %mul3A_783 = arith.mulf %get3A_44, %get3A_782 : vector<16xf32>
        %add3A_784 = arith.addf %add3A_775, %mul3A_783 : vector<16xf32>
        %mul3A_785 = arith.constant 21 : i32
        %mul3A_786 = arith.muli %scan3A_36, %mul3A_785 : i32
        %add3A_787 = arith.constant 17 : i32
        %add3A_788 = arith.addi %mul3A_786, %add3A_787 : i32
        %get3A_789 = arith.index_cast %add3A_788 : i32 to index
        %get3A_790 = arith.constant 48 : index
        %get3A_791 = tpu.vector_load %arg10[%get3A_789, %get3A_790] {strides = array<i32>} : memref<672x64xf32, #tpu.memory_space<vmem>>, vector<16xf32>,
        %mul3A_792 = arith.mulf %get3A_47, %get3A_791 : vector<16xf32>
        %add3A_793 = arith.addf %add3A_784, %mul3A_792 : vector<16xf32>
        %swap3A_794 = arith.constant 16 : index
        %swap3A_795 = tpu.vector_load %arg12[%swap3A_794] {strides = array<i32>} : memref<256xf32, #tpu.memory_space<vmem>>, vector<16xf32>,
        tpu.vector_store %arg12[%swap3A_794], %add3A_793 {strides = array<i32>} : memref<256xf32, #tpu.memory_space<vmem>>, vector<16xf32>,
        %mul3A_796 = arith.constant 21 : i32
        %mul3A_797 = arith.muli %scan3A_36, %mul3A_796 : i32
        %add3A_798 = arith.constant 18 : i32
        %add3A_799 = arith.addi %mul3A_797, %add3A_798 : i32
        %get3A_800 = arith.index_cast %add3A_799 : i32 to index
        %get3A_801 = arith.constant 0 : index
        %get3A_802 = tpu.vector_load %arg10[%get3A_800, %get3A_801] {strides = array<i32>} : memref<672x64xf32, #tpu.memory_space<vmem>>, vector<16xf32>,
        %mul3A_803 = arith.mulf %get3A_38, %get3A_802 : vector<16xf32>
        %mul3A_804 = arith.constant 21 : i32
        %mul3A_805 = arith.muli %scan3A_36, %mul3A_804 : i32
        %add3A_806 = arith.constant 18 : i32
        %add3A_807 = arith.addi %mul3A_805, %add3A_806 : i32
        %get3A_808 = arith.index_cast %add3A_807 : i32 to index
        %get3A_809 = arith.constant 16 : index
        %get3A_810 = tpu.vector_load %arg10[%get3A_808, %get3A_809] {strides = array<i32>} : memref<672x64xf32, #tpu.memory_space<vmem>>, vector<16xf32>,
        %mul3A_811 = arith.mulf %get3A_41, %get3A_810 : vector<16xf32>
        %add3A_812 = arith.addf %mul3A_803, %mul3A_811 : vector<16xf32>
        %mul3A_813 = arith.constant 21 : i32
        %mul3A_814 = arith.muli %scan3A_36, %mul3A_813 : i32
        %add3A_815 = arith.constant 18 : i32
        %add3A_816 = arith.addi %mul3A_814, %add3A_815 : i32
        %get3A_817 = arith.index_cast %add3A_816 : i32 to index
        %get3A_818 = arith.constant 32 : index
        %get3A_819 = tpu.vector_load %arg10[%get3A_817, %get3A_818] {strides = array<i32>} : memref<672x64xf32, #tpu.memory_space<vmem>>, vector<16xf32>,
        %mul3A_820 = arith.mulf %get3A_44, %get3A_819 : vector<16xf32>
        %add3A_821 = arith.addf %add3A_812, %mul3A_820 : vector<16xf32>
        %mul3A_822 = arith.constant 21 : i32
        %mul3A_823 = arith.muli %scan3A_36, %mul3A_822 : i32
        %add3A_824 = arith.constant 18 : i32
        %add3A_825 = arith.addi %mul3A_823, %add3A_824 : i32
        %get3A_826 = arith.index_cast %add3A_825 : i32 to index
        %get3A_827 = arith.constant 48 : index
        %get3A_828 = tpu.vector_load %arg10[%get3A_826, %get3A_827] {strides = array<i32>} : memref<672x64xf32, #tpu.memory_space<vmem>>, vector<16xf32>,
        %mul3A_829 = arith.mulf %get3A_47, %get3A_828 : vector<16xf32>
        %add3A_830 = arith.addf %add3A_821, %mul3A_829 : vector<16xf32>
        %swap3A_831 = arith.constant 32 : index
        %swap3A_832 = tpu.vector_load %arg12[%swap3A_831] {strides = array<i32>} : memref<256xf32, #tpu.memory_space<vmem>>, vector<16xf32>,
        tpu.vector_store %arg12[%swap3A_831], %add3A_830 {strides = array<i32>} : memref<256xf32, #tpu.memory_space<vmem>>, vector<16xf32>,
        %mul3A_833 = arith.constant 21 : i32
        %mul3A_834 = arith.muli %scan3A_36, %mul3A_833 : i32
        %add3A_835 = arith.constant 19 : i32
        %add3A_836 = arith.addi %mul3A_834, %add3A_835 : i32
        %get3A_837 = arith.index_cast %add3A_836 : i32 to index
        %get3A_838 = arith.constant 0 : index
        %get3A_839 = tpu.vector_load %arg10[%get3A_837, %get3A_838] {strides = array<i32>} : memref<672x64xf32, #tpu.memory_space<vmem>>, vector<16xf32>,
        %mul3A_840 = arith.mulf %get3A_38, %get3A_839 : vector<16xf32>
        %mul3A_841 = arith.constant 21 : i32
        %mul3A_842 = arith.muli %scan3A_36, %mul3A_841 : i32
        %add3A_843 = arith.constant 19 : i32
        %add3A_844 = arith.addi %mul3A_842, %add3A_843 : i32
        %get3A_845 = arith.index_cast %add3A_844 : i32 to index
        %get3A_846 = arith.constant 16 : index
        %get3A_847 = tpu.vector_load %arg10[%get3A_845, %get3A_846] {strides = array<i32>} : memref<672x64xf32, #tpu.memory_space<vmem>>, vector<16xf32>,
        %mul3A_848 = arith.mulf %get3A_41, %get3A_847 : vector<16xf32>
        %add3A_849 = arith.addf %mul3A_840, %mul3A_848 : vector<16xf32>
        %mul3A_850 = arith.constant 21 : i32
        %mul3A_851 = arith.muli %scan3A_36, %mul3A_850 : i32
        %add3A_852 = arith.constant 19 : i32
        %add3A_853 = arith.addi %mul3A_851, %add3A_852 : i32
        %get3A_854 = arith.index_cast %add3A_853 : i32 to index
        %get3A_855 = arith.constant 32 : index
        %get3A_856 = tpu.vector_load %arg10[%get3A_854, %get3A_855] {strides = array<i32>} : memref<672x64xf32, #tpu.memory_space<vmem>>, vector<16xf32>,
        %mul3A_857 = arith.mulf %get3A_44, %get3A_856 : vector<16xf32>
        %add3A_858 = arith.addf %add3A_849, %mul3A_857 : vector<16xf32>
        %mul3A_859 = arith.constant 21 : i32
        %mul3A_860 = arith.muli %scan3A_36, %mul3A_859 : i32
        %add3A_861 = arith.constant 19 : i32
        %add3A_862 = arith.addi %mul3A_860, %add3A_861 : i32
        %get3A_863 = arith.index_cast %add3A_862 : i32 to index
        %get3A_864 = arith.constant 48 : index
        %get3A_865 = tpu.vector_load %arg10[%get3A_863, %get3A_864] {strides = array<i32>} : memref<672x64xf32, #tpu.memory_space<vmem>>, vector<16xf32>,
        %mul3A_866 = arith.mulf %get3A_47, %get3A_865 : vector<16xf32>
        %add3A_867 = arith.addf %add3A_858, %mul3A_866 : vector<16xf32>
        %swap3A_868 = arith.constant 48 : index
        %swap3A_869 = tpu.vector_load %arg12[%swap3A_868] {strides = array<i32>} : memref<256xf32, #tpu.memory_space<vmem>>, vector<16xf32>,
        tpu.vector_store %arg12[%swap3A_868], %add3A_867 {strides = array<i32>} : memref<256xf32, #tpu.memory_space<vmem>>, vector<16xf32>,
        %mul3A_870 = arith.constant 21 : i32
        %mul3A_871 = arith.muli %scan3A_36, %mul3A_870 : i32
        %add3A_872 = arith.constant 20 : i32
        %add3A_873 = arith.addi %mul3A_871, %add3A_872 : i32
        %get3A_874 = arith.index_cast %add3A_873 : i32 to index
        %get3A_875 = arith.constant 0 : index
        %get3A_876 = tpu.vector_load %arg10[%get3A_874, %get3A_875] {strides = array<i32>} : memref<672x64xf32, #tpu.memory_space<vmem>>, vector<16xf32>,
        %mul3A_877 = arith.mulf %get3A_38, %get3A_876 : vector<16xf32>
        %mul3A_878 = arith.constant 21 : i32
        %mul3A_879 = arith.muli %scan3A_36, %mul3A_878 : i32
        %add3A_880 = arith.constant 20 : i32
        %add3A_881 = arith.addi %mul3A_879, %add3A_880 : i32
        %get3A_882 = arith.index_cast %add3A_881 : i32 to index
        %get3A_883 = arith.constant 16 : index
        %get3A_884 = tpu.vector_load %arg10[%get3A_882, %get3A_883] {strides = array<i32>} : memref<672x64xf32, #tpu.memory_space<vmem>>, vector<16xf32>,
        %mul3A_885 = arith.mulf %get3A_41, %get3A_884 : vector<16xf32>
        %add3A_886 = arith.addf %mul3A_877, %mul3A_885 : vector<16xf32>
        %mul3A_887 = arith.constant 21 : i32
        %mul3A_888 = arith.muli %scan3A_36, %mul3A_887 : i32
        %add3A_889 = arith.constant 20 : i32
        %add3A_890 = arith.addi %mul3A_888, %add3A_889 : i32
        %get3A_891 = arith.index_cast %add3A_890 : i32 to index
        %get3A_892 = arith.constant 32 : index
        %get3A_893 = tpu.vector_load %arg10[%get3A_891, %get3A_892] {strides = array<i32>} : memref<672x64xf32, #tpu.memory_space<vmem>>, vector<16xf32>,
        %mul3A_894 = arith.mulf %get3A_44, %get3A_893 : vector<16xf32>
        %add3A_895 = arith.addf %add3A_886, %mul3A_894 : vector<16xf32>
        %mul3A_896 = arith.constant 21 : i32
        %mul3A_897 = arith.muli %scan3A_36, %mul3A_896 : i32
        %add3A_898 = arith.constant 20 : i32
        %add3A_899 = arith.addi %mul3A_897, %add3A_898 : i32
        %get3A_900 = arith.index_cast %add3A_899 : i32 to index
        %get3A_901 = arith.constant 48 : index
        %get3A_902 = tpu.vector_load %arg10[%get3A_900, %get3A_901] {strides = array<i32>} : memref<672x64xf32, #tpu.memory_space<vmem>>, vector<16xf32>,
        %mul3A_903 = arith.mulf %get3A_47, %get3A_902 : vector<16xf32>
        %add3A_904 = arith.addf %add3A_895, %mul3A_903 : vector<16xf32>
        %swap3A_905 = arith.constant 64 : index
        %swap3A_906 = tpu.vector_load %arg12[%swap3A_905] {strides = array<i32>} : memref<256xf32, #tpu.memory_space<vmem>>, vector<16xf32>,
        tpu.vector_store %arg12[%swap3A_905], %add3A_904 {strides = array<i32>} : memref<256xf32, #tpu.memory_space<vmem>>, vector<16xf32>,
        %swap3A_907 = arith.constant 80 : index
        %swap3A_908 = tpu.vector_load %arg12[%swap3A_907] {strides = array<i32>} : memref<256xf32, #tpu.memory_space<vmem>>, vector<16xf32>,
        tpu.vector_store %arg12[%swap3A_907], %broadcast_in_dim3A_4 {strides = array<i32>} : memref<256xf32, #tpu.memory_space<vmem>>, vector<16xf32>,
        %swap3A_909 = arith.constant 96 : index
        %swap3A_910 = tpu.vector_load %arg12[%swap3A_909] {strides = array<i32>} : memref<256xf32, #tpu.memory_space<vmem>>, vector<16xf32>,
        tpu.vector_store %arg12[%swap3A_909], %broadcast_in_dim3A_4 {strides = array<i32>} : memref<256xf32, #tpu.memory_space<vmem>>, vector<16xf32>,
        %swap3A_911 = arith.constant 112 : index
        %swap3A_912 = tpu.vector_load %arg12[%swap3A_911] {strides = array<i32>} : memref<256xf32, #tpu.memory_space<vmem>>, vector<16xf32>,
        tpu.vector_store %arg12[%swap3A_911], %broadcast_in_dim3A_4 {strides = array<i32>} : memref<256xf32, #tpu.memory_space<vmem>>, vector<16xf32>,
        %swap3A_913 = arith.constant 128 : index
        %swap3A_914 = tpu.vector_load %arg12[%swap3A_913] {strides = array<i32>} : memref<256xf32, #tpu.memory_space<vmem>>, vector<16xf32>,
        tpu.vector_store %arg12[%swap3A_913], %broadcast_in_dim3A_4 {strides = array<i32>} : memref<256xf32, #tpu.memory_space<vmem>>, vector<16xf32>,
        %swap3A_915 = arith.constant 144 : index
        %swap3A_916 = tpu.vector_load %arg12[%swap3A_915] {strides = array<i32>} : memref<256xf32, #tpu.memory_space<vmem>>, vector<16xf32>,
        tpu.vector_store %arg12[%swap3A_915], %broadcast_in_dim3A_4 {strides = array<i32>} : memref<256xf32, #tpu.memory_space<vmem>>, vector<16xf32>,
        %swap3A_917 = arith.constant 160 : index
        %swap3A_918 = tpu.vector_load %arg12[%swap3A_917] {strides = array<i32>} : memref<256xf32, #tpu.memory_space<vmem>>, vector<16xf32>,
        tpu.vector_store %arg12[%swap3A_917], %broadcast_in_dim3A_4 {strides = array<i32>} : memref<256xf32, #tpu.memory_space<vmem>>, vector<16xf32>,
        %swap3A_919 = arith.constant 176 : index
        %swap3A_920 = tpu.vector_load %arg12[%swap3A_919] {strides = array<i32>} : memref<256xf32, #tpu.memory_space<vmem>>, vector<16xf32>,
        tpu.vector_store %arg12[%swap3A_919], %broadcast_in_dim3A_4 {strides = array<i32>} : memref<256xf32, #tpu.memory_space<vmem>>, vector<16xf32>,
        %swap3A_921 = arith.constant 192 : index
        %swap3A_922 = tpu.vector_load %arg12[%swap3A_921] {strides = array<i32>} : memref<256xf32, #tpu.memory_space<vmem>>, vector<16xf32>,
        tpu.vector_store %arg12[%swap3A_921], %broadcast_in_dim3A_4 {strides = array<i32>} : memref<256xf32, #tpu.memory_space<vmem>>, vector<16xf32>,
        %swap3A_923 = arith.constant 208 : index
        %swap3A_924 = tpu.vector_load %arg12[%swap3A_923] {strides = array<i32>} : memref<256xf32, #tpu.memory_space<vmem>>, vector<16xf32>,
        tpu.vector_store %arg12[%swap3A_923], %broadcast_in_dim3A_4 {strides = array<i32>} : memref<256xf32, #tpu.memory_space<vmem>>, vector<16xf32>,
        %swap3A_925 = arith.constant 224 : index
        %swap3A_926 = tpu.vector_load %arg12[%swap3A_925] {strides = array<i32>} : memref<256xf32, #tpu.memory_space<vmem>>, vector<16xf32>,
        tpu.vector_store %arg12[%swap3A_925], %broadcast_in_dim3A_4 {strides = array<i32>} : memref<256xf32, #tpu.memory_space<vmem>>, vector<16xf32>,
        %swap3A_927 = arith.constant 240 : index
        %swap3A_928 = tpu.vector_load %arg12[%swap3A_927] {strides = array<i32>} : memref<256xf32, #tpu.memory_space<vmem>>, vector<16xf32>,
        tpu.vector_store %arg12[%swap3A_927], %broadcast_in_dim3A_4 {strides = array<i32>} : memref<256xf32, #tpu.memory_space<vmem>>, vector<16xf32>,
        %add3A_929 = arith.constant 0 : i32
        %add3A_930 = vector.broadcast %add3A_929 : i32 to vector<16xi32>
        %add3A_931 = arith.addi %mul3A_3, %add3A_930 : vector<16xi32>
        %gather3A_932 = tpu.vector_load_idx %arg12[%add3A_931] : memref<256xf32, #tpu.memory_space<vmem>>[vector<16xi32>], vector<16xf32>,
        %add3A_933 = arith.addf %broadcast_in_dim3A_4, %gather3A_932 : vector<16xf32>
        %add3A_934 = arith.constant 1 : i32
        %add3A_935 = vector.broadcast %add3A_934 : i32 to vector<16xi32>
        %add3A_936 = arith.addi %mul3A_3, %add3A_935 : vector<16xi32>
        %gather3A_937 = tpu.vector_load_idx %arg12[%add3A_936] : memref<256xf32, #tpu.memory_space<vmem>>[vector<16xi32>], vector<16xf32>,
        %add3A_938 = arith.addf %add3A_933, %gather3A_937 : vector<16xf32>
        %add3A_939 = arith.constant 2 : i32
        %add3A_940 = vector.broadcast %add3A_939 : i32 to vector<16xi32>
        %add3A_941 = arith.addi %mul3A_3, %add3A_940 : vector<16xi32>
        %gather3A_942 = tpu.vector_load_idx %arg12[%add3A_941] : memref<256xf32, #tpu.memory_space<vmem>>[vector<16xi32>], vector<16xf32>,
        %add3A_943 = arith.addf %add3A_938, %gather3A_942 : vector<16xf32>
        %add3A_944 = arith.constant 3 : i32
        %add3A_945 = vector.broadcast %add3A_944 : i32 to vector<16xi32>
        %add3A_946 = arith.addi %mul3A_3, %add3A_945 : vector<16xi32>
        %gather3A_947 = tpu.vector_load_idx %arg12[%add3A_946] : memref<256xf32, #tpu.memory_space<vmem>>[vector<16xi32>], vector<16xf32>,
        %add3A_948 = arith.addf %add3A_943, %gather3A_947 : vector<16xf32>
        %add3A_949 = arith.constant 4 : i32
        %add3A_950 = vector.broadcast %add3A_949 : i32 to vector<16xi32>
        %add3A_951 = arith.addi %mul3A_3, %add3A_950 : vector<16xi32>
        %gather3A_952 = tpu.vector_load_idx %arg12[%add3A_951] : memref<256xf32, #tpu.memory_space<vmem>>[vector<16xi32>], vector<16xf32>,
        %add3A_953 = arith.addf %add3A_948, %gather3A_952 : vector<16xf32>
        %add3A_954 = arith.constant 5 : i32
        %add3A_955 = vector.broadcast %add3A_954 : i32 to vector<16xi32>
        %add3A_956 = arith.addi %mul3A_3, %add3A_955 : vector<16xi32>
        %gather3A_957 = tpu.vector_load_idx %arg12[%add3A_956] : memref<256xf32, #tpu.memory_space<vmem>>[vector<16xi32>], vector<16xf32>,
        %add3A_958 = arith.addf %add3A_953, %gather3A_957 : vector<16xf32>
        %add3A_959 = arith.constant 6 : i32
        %add3A_960 = vector.broadcast %add3A_959 : i32 to vector<16xi32>
        %add3A_961 = arith.addi %mul3A_3, %add3A_960 : vector<16xi32>
        %gather3A_962 = tpu.vector_load_idx %arg12[%add3A_961] : memref<256xf32, #tpu.memory_space<vmem>>[vector<16xi32>], vector<16xf32>,
        %add3A_963 = arith.addf %add3A_958, %gather3A_962 : vector<16xf32>
        %add3A_964 = arith.constant 7 : i32
        %add3A_965 = vector.broadcast %add3A_964 : i32 to vector<16xi32>
        %add3A_966 = arith.addi %mul3A_3, %add3A_965 : vector<16xi32>
        %gather3A_967 = tpu.vector_load_idx %arg12[%add3A_966] : memref<256xf32, #tpu.memory_space<vmem>>[vector<16xi32>], vector<16xf32>,
        %add3A_968 = arith.addf %add3A_963, %gather3A_967 : vector<16xf32>
        %add3A_969 = arith.constant 8 : i32
        %add3A_970 = vector.broadcast %add3A_969 : i32 to vector<16xi32>
        %add3A_971 = arith.addi %mul3A_3, %add3A_970 : vector<16xi32>
        %gather3A_972 = tpu.vector_load_idx %arg12[%add3A_971] : memref<256xf32, #tpu.memory_space<vmem>>[vector<16xi32>], vector<16xf32>,
        %add3A_973 = arith.addf %add3A_968, %gather3A_972 : vector<16xf32>
        %add3A_974 = arith.constant 9 : i32
        %add3A_975 = vector.broadcast %add3A_974 : i32 to vector<16xi32>
        %add3A_976 = arith.addi %mul3A_3, %add3A_975 : vector<16xi32>
        %gather3A_977 = tpu.vector_load_idx %arg12[%add3A_976] : memref<256xf32, #tpu.memory_space<vmem>>[vector<16xi32>], vector<16xf32>,
        %add3A_978 = arith.addf %add3A_973, %gather3A_977 : vector<16xf32>
        %add3A_979 = arith.constant 10 : i32
        %add3A_980 = vector.broadcast %add3A_979 : i32 to vector<16xi32>
        %add3A_981 = arith.addi %mul3A_3, %add3A_980 : vector<16xi32>
        %gather3A_982 = tpu.vector_load_idx %arg12[%add3A_981] : memref<256xf32, #tpu.memory_space<vmem>>[vector<16xi32>], vector<16xf32>,
        %add3A_983 = arith.addf %add3A_978, %gather3A_982 : vector<16xf32>
        %add3A_984 = arith.constant 11 : i32
        %add3A_985 = vector.broadcast %add3A_984 : i32 to vector<16xi32>
        %add3A_986 = arith.addi %mul3A_3, %add3A_985 : vector<16xi32>
        %gather3A_987 = tpu.vector_load_idx %arg12[%add3A_986] : memref<256xf32, #tpu.memory_space<vmem>>[vector<16xi32>], vector<16xf32>,
        %add3A_988 = arith.addf %add3A_983, %gather3A_987 : vector<16xf32>
        %add3A_989 = arith.constant 12 : i32
        %add3A_990 = vector.broadcast %add3A_989 : i32 to vector<16xi32>
        %add3A_991 = arith.addi %mul3A_3, %add3A_990 : vector<16xi32>
        %gather3A_992 = tpu.vector_load_idx %arg12[%add3A_991] : memref<256xf32, #tpu.memory_space<vmem>>[vector<16xi32>], vector<16xf32>,
        %add3A_993 = arith.addf %add3A_988, %gather3A_992 : vector<16xf32>
        %add3A_994 = arith.constant 13 : i32
        %add3A_995 = vector.broadcast %add3A_994 : i32 to vector<16xi32>
        %add3A_996 = arith.addi %mul3A_3, %add3A_995 : vector<16xi32>
        %gather3A_997 = tpu.vector_load_idx %arg12[%add3A_996] : memref<256xf32, #tpu.memory_space<vmem>>[vector<16xi32>], vector<16xf32>,
        %add3A_998 = arith.addf %add3A_993, %gather3A_997 : vector<16xf32>
        %add3A_999 = arith.constant 14 : i32
        %add3A_1000 = vector.broadcast %add3A_999 : i32 to vector<16xi32>
        %add3A_1001 = arith.addi %mul3A_3, %add3A_1000 : vector<16xi32>
        %gather3A_1002 = tpu.vector_load_idx %arg12[%add3A_1001] : memref<256xf32, #tpu.memory_space<vmem>>[vector<16xi32>], vector<16xf32>,
        %add3A_1003 = arith.addf %add3A_998, %gather3A_1002 : vector<16xf32>
        %add3A_1004 = arith.constant 15 : i32
        %add3A_1005 = vector.broadcast %add3A_1004 : i32 to vector<16xi32>
        %add3A_1006 = arith.addi %mul3A_3, %add3A_1005 : vector<16xi32>
        %gather3A_1007 = tpu.vector_load_idx %arg12[%add3A_1006] : memref<256xf32, #tpu.memory_space<vmem>>[vector<16xi32>], vector<16xf32>,
        %add3A_1008 = arith.addf %add3A_1003, %gather3A_1007 : vector<16xf32>
        %mul3A_1009 = arith.constant 32 : i32
        %mul3A_1010 = arith.muli %scan3A_36, %mul3A_1009 : i32
        %add3A_1011 = arith.constant 16 : i32
        %add3A_1012 = arith.addi %mul3A_1010, %add3A_1011 : i32
        %swap3A_1013 = arith.index_cast %add3A_1012 : i32 to index
        %swap3A_1014 = tpu.vector_load %arg11[%swap3A_1013] {strides = array<i32>} : memref<1024xf32, #tpu.memory_space<vmem>>, vector<16xf32>,
        tpu.vector_store %arg11[%swap3A_1013], %add3A_1008 {strides = array<i32>} : memref<1024xf32, #tpu.memory_space<vmem>>, vector<16xf32>,
      }
      %scan3A_33 = arith.constant 32 : i32
      %mul3A_34 = arith.constant 32 : i32
      %mul3A_35 = arith.muli %add3A_15, %mul3A_34 : i32
      "tpu.region"() ({
        %run_scoped3A = tpu.sem_alloc : memref<!tpu.dma_semaphore, #tpu.memory_space<semaphore_mem>>
        %dma_start3A_36 = tpu.memref_slice %arg6[%mul3A_35] : memref<524288xf32, #tpu.memory_space<hbm>> -> memref<1024xf32, #tpu.memory_space<hbm>>
        %dma_start3A_37 = tpu.memref_slice %arg6[%mul3A_35] : memref<524288xf32, #tpu.memory_space<hbm>> -> memref<1024xf32, #tpu.memory_space<hbm>>
        tpu.enqueue_dma source(%arg11 : memref<1024xf32, #tpu.memory_space<vmem>>) target(%dma_start3A_37 : memref<1024xf32, #tpu.memory_space<hbm>>) target_semaphore(%run_scoped3A : memref<!tpu.dma_semaphore, #tpu.memory_space<semaphore_mem>>)
        %dma_wait3A_38 = tpu.memref_slice %arg6[%mul3A_35] : memref<524288xf32, #tpu.memory_space<hbm>> -> memref<1024xf32, #tpu.memory_space<hbm>>
        %dma_wait3A_39 = tpu.memref_slice %arg6[%mul3A_35] : memref<524288xf32, #tpu.memory_space<hbm>> -> memref<1024xf32, #tpu.memory_space<hbm>>
        tpu.wait_dma2 semaphore(%run_scoped3A : memref<!tpu.dma_semaphore, #tpu.memory_space<semaphore_mem>>) src(%arg11 : memref<1024xf32, #tpu.memory_space<vmem>>) dst(%dma_wait3A_39 : memref<1024xf32, #tpu.memory_space<hbm>>)
        tpu.yield
      }) : () -> ()
    }
    %scan3A_9 = arith.constant 16 : i32
    return
  }
}

module attributes {stable_mosaic.version = 14 : i64} {
  func.func @body(%arg0: memref<4096x128xf32, #tpu.memory_space<vmem>>, %arg1: memref<1x1xf32, #tpu.memory_space<smem>>) attributes {dimension_semantics = [], scalar_prefetch = 0 : i64, scratch_operands = 0 : i64, tpu.core_type = #tpu.core_type<tc>} {
    %get3A = arith.constant 0 : index
    %get3A_0 = arith.constant 0 : index
    %get3A_1 = vector.load %arg0[%get3A, %get3A_0] : memref<4096x128xf32, #tpu.memory_space<vmem>>, vector<4096x128xf32>
    %iota3A = tpu.iota {dimensions = array<i32: 1>} : vector<4096x128xi32>
    %jit3A = arith.constant 32 : i32
    %eq3A = arith.constant 0 : i32
    %eq3A_2 = arith.cmpi eq, %jit3A, %eq3A : i32
    %jit3A_3 = arith.constant 1 : i32
    %select_n3A = arith.select %eq3A_2, %jit3A_3, %jit3A : i32
    %rem3A = vector.broadcast %select_n3A : i32 to vector<4096x128xi32>
    %rem3A_4 = arith.remsi %iota3A, %rem3A : vector<4096x128xi32>
    %ne3A = arith.constant 0 : i32
    %ne3A_5 = vector.broadcast %ne3A : i32 to vector<4096x128xi32>
    %ne3A_6 = arith.cmpi ne, %rem3A_4, %ne3A_5 : vector<4096x128xi32>
    %lt3A = arith.constant 0 : i32
    %lt3A_7 = vector.broadcast %lt3A : i32 to vector<4096x128xi32>
    %lt3A_8 = arith.cmpi slt, %rem3A_4, %lt3A_7 : vector<4096x128xi32>
    %lt3A_9 = arith.constant 0 : i32
    %lt3A_10 = arith.cmpi slt, %select_n3A, %lt3A_9 : i32
    %ne3A_11 = vector.broadcast %lt3A_10 : i1 to vector<4096x128xi1>
    %ne3A_12 = vector.broadcast %ne3A_11 : vector<4096x128xi1> to vector<4096x128xi1>
    %ne3A_13 = arith.xori %lt3A_8, %ne3A_12 : vector<4096x128xi1>
    %and3A = arith.andi %ne3A_13, %ne3A_6 : vector<4096x128xi1>
    %add3A = vector.broadcast %select_n3A : i32 to vector<4096x128xi32>
    %add3A_14 = arith.addi %rem3A_4, %add3A : vector<4096x128xi32>
    %select_n3A_15 = arith.select %and3A, %add3A_14, %rem3A_4 : vector<4096x128xi1>, vector<4096x128xi32>
    %lt3A_16 = arith.constant 21 : i32
    %lt3A_17 = vector.broadcast %lt3A_16 : i32 to vector<4096x128xi32>
    %lt3A_18 = arith.cmpi slt, %select_n3A_15, %lt3A_17 : vector<4096x128xi32>
    %jit3A_19 = arith.constant -1.000000e+01 : f32
    %jit3A_20 = arith.constant 1.000000e+01 : f32
    %max3A = vector.broadcast %jit3A_19 : f32 to vector<4096x128xf32>
    %max3A_21 = arith.maximumf %max3A, %get3A_1 : vector<4096x128xf32>
    %min3A = vector.broadcast %jit3A_20 : f32 to vector<4096x128xf32>
    %min3A_22 = arith.minimumf %min3A, %max3A_21 : vector<4096x128xf32>
    %custom_jvp_call3A = arith.constant 0.000000e+00 : f32
    %max3A_23 = vector.broadcast %custom_jvp_call3A : f32 to vector<4096x128xf32>
    %max3A_24 = arith.maximumf %min3A_22, %max3A_23 : vector<4096x128xf32>
    %sub3A = vector.broadcast %custom_jvp_call3A : f32 to vector<4096x128xf32>
    %sub3A_25 = arith.subf %min3A_22, %sub3A : vector<4096x128xf32>
    %ne3A_26 = arith.cmpf one, %sub3A_25, %sub3A_25 : vector<4096x128xf32>
    %add3A_27 = vector.broadcast %custom_jvp_call3A : f32 to vector<4096x128xf32>
    %add3A_28 = arith.addf %min3A_22, %add3A_27 : vector<4096x128xf32>
    %abs3A = math.absf %sub3A_25 : vector<4096x128xf32>
    %neg3A = arith.constant 0.000000e+00 : f32
    %neg3A_29 = vector.broadcast %neg3A : f32 to vector<4096x128xf32>
    %neg3A_30 = arith.subf %neg3A_29, %abs3A : vector<4096x128xf32>
    %exp3A = math.exp %neg3A_30 : vector<4096x128xf32>
    %log1p3A = math.log1p %exp3A : vector<4096x128xf32>
    %add3A_31 = arith.addf %max3A_24, %log1p3A : vector<4096x128xf32>
    %select_n3A_32 = arith.select %ne3A_26, %add3A_28, %add3A_31 : vector<4096x128xi1>, vector<4096x128xf32>
    %jit3A_33 = arith.constant 0.000000e+00 : f32
    %broadcast_in_dim3A = vector.broadcast %jit3A_33 : f32 to vector<4096x128xf32>
    %select_n3A_34 = arith.select %lt3A_18, %select_n3A_32, %broadcast_in_dim3A : vector<4096x128xi1>, vector<4096x128xf32>
    %reduce_sum3A = vector.shape_cast %select_n3A_34 : vector<4096x128xf32> to vector<1x4096x128xf32>
    %reduce_sum3A_35 = arith.constant dense<0.000000e+00> : vector<1xf32>
    %reduce_sum3A_36 = vector.multi_reduction <add>, %reduce_sum3A, %reduce_sum3A_35 [1, 2] : vector<1x4096x128xf32> to vector<1xf32>
    %reduce_sum3A_37 = vector.shape_cast %reduce_sum3A_36 : vector<1xf32> to vector<1x1x1xf32>
    %reduce_sum3A_38 = vector.extract %reduce_sum3A_37[0, 0, 0] : f32 from vector<1x1x1xf32>
    %div3A = arith.constant 1.638400e+04 : f32
    %div3A_39 = arith.divf %reduce_sum3A_38, %div3A : f32
    %swap3A = arith.constant 0 : index
    %swap3A_40 = arith.constant 0 : index
    %swap3A_41 = memref.load %arg1[%swap3A, %swap3A_40] : memref<1x1xf32, #tpu.memory_space<smem>>
    memref.store %div3A_39, %arg1[%swap3A, %swap3A_40] : memref<1x1xf32, #tpu.memory_space<smem>>
    return
  }
}

</mosaic_0001>

<sc_bundles>
// kernel: kernel.4.cloned.1.call-start
scs
__scs_entry_jumppad:
0x0: {  	(pc) =	sbr.rel $0x88, $3  }
0x1: {  	(tag) =	ssettag $0x0;
	lr =	simm.s32 $0x1  }
0x2: {  	[smem:$0x3F9C] =	sst lr;
	_ =	strace $0xD0000000  }
0x3: {  	_ = 	snop  }
0x4: {  	_ = 	snop  }
0x5: {  	_ = 	snop  }
0x6: {  	_ = 	snop  }
0x7: {  	_ = 	snop  }
__scs_overlays_trampoline_lowered:
0x8: {  	[smem:$0x3FAB] =	sst s0  }
0x9: {  	[smem:$0x3FAC] =	sst s1  }
0xa: {  	[smem:$0x3FAD] =	sst s2  }
0xb: {  	[smem:$0x3FAE] =	sst s3  }
0xc: {  	[smem:$0x3FAF] =	sst s4  }
0xd: {  	[smem:$0x3FB0] =	sst s5  }
0xe: {  	[smem:$0x3FB1] =	sst s6  }
0xf: {  	[smem:$0x3FB2] =	sst s7  }
0x10: {  	[smem:$0x3FB3] =	sst s8  }
0x11: {  	[smem:$0x3FB4] =	sst s9;
	s0 =	simm.s32 @!p0 $0x0  }
0x12: {  	s1 =	sld [smem:$0x3F9A];
	s0 =	simm.s32 @p0 $0x1  }
0x13: {  	[smem:$0x3FB5] =	sst s0;
	s0 =	simm.s32 @!p1 $0x0  }
0x14: {  	s2 =	sld [smem:$0x3F99];
	s0 =	simm.s32 @p1 $0x1  }
0x15: {  	[smem:$0x3FB6] =	sst s0;
	s0 =	simm.s32 @!p2 $0x0  }
0x16: {  	s3 =	sld [smem:$0x3FDB];
	s0 =	simm.s32 @p2 $0x1  }
0x17: {  	s4 =	simm.s32 $0x1BF5;
	[smem:$0x3FB8] =	sst s0  }
0x18: {  	s0 =	sld [smem:$0x3F9B];
	_ =	swait.ge [sflag:s4], $0x0  }
0x19: {  	s7 =	sld [smem:$0x3F9C]  }
0x1a: {  	s8 =	sadd.s32 $0xFFFFE003, lr  }
0x1b: {  	s9 =	sadd.s32 $0xFFFFFEF7, lr;
	s5 =	simm.s32 $0xFFFFFFFF;
	p2 =	slt.u32 s8, $0xFFFFF086  }
0x1c: {  	p1 =	slt.u32 s9, $0xF7A;
	s5 =	simm.s32 @!p2 $0x0  }
0x1d: {  	s5 =	simm.s32 @p1 $0x1;
	p0 =	seq.s32 s7, s2  }
0x1e: {  	s7 =	smul.u32 @!p0 $0xF7A, s2;
	p2 =	seq.s32 @!p0 s5, $0x0  }
0x1f: {  	s9 =	smul.u32 $0xF7A, s1;
	s8 =	simm.s32 @!p0 $0x1BF5;
	p2 =	por !p2, p0  }
0x20: {  	[sflag:s8] =	ssyncset.s32 @!p0 $0xFFFFF086;
	s6 =	sadd.s32 @!p0 s3, s7;
	s7 =	simm.s32 @!p0 $0x108  }
0x21: {  	s3 =	sadd.s32 s3, s9;
	s6 =	sadd.s32 @!p0 $0x88, s6;
	s7 =	simm.s32 @p2 $0x1082  }
0x22: {  	[simem:s7], [sflag:s8] =	dma.local @!p0 [hbm:s6], $0xF7A  }
0x23: {  	s9 =	sor.u32 $0xD0000000, s2;
	s6 =	simm.s32 $0x108;
	_ =	swait.ge @!p0 [sflag:s8], $0x0  }
0x24: {  	s3 =	sadd.s32 $0x88, s3;
	s6 =	simm.s32 @!p1 $0x1082;
	[sflag:s4] =	ssyncset.s32 $0xFFFFF086  }
0x25: {  	[simem:s6], [sflag:s4] =	dma.local [hbm:s3], $0xF7A  }
0x26: {  	[smem:$0x3F9C] =	sst s1;
	(tag) =	ssettag s2;
	_ =	strace s9  }
0x27: {  	s1 =	sld [smem:$0x3FAC]  }
0x28: {  	s2 =	sld [smem:$0x3FAD]  }
0x29: {  	s4 =	sld [smem:$0x3FAF]  }
0x2a: {  	p0 =	seq.s32 s5, $0x0;
	s5 =	sld [smem:$0x3FB0]  }
0x2b: {  	s6 =	sld [smem:$0x3FB1]  }
0x2c: {  	s7 =	sld [smem:$0x3FB2]  }
0x2d: {  	s3 =	simm.s32 $0x108;
	s8 =	sld [smem:$0x3FB3]  }
0x2e: {  	s3 =	simm.s32 @!p0 $0x1082;
	s9 =	sld [smem:$0x3FB4]  }
0x2f: {  	lr =	sadd.s32 s0, s3;
	s0 =	sld [smem:$0x3FAB]  }
0x30: {  	s3 =	sld [smem:$0x3FAE]  }
0x31: {  	[smem:$0x3FB7] =	sst s10  }
0x32: {  	s10 =	sld [smem:$0x3FB5];
	_ =	sdelay $0x3  }
0x33: {  	p0 =	seq.s32 s10, $0x1;
	s10 =	sld [smem:$0x3FB7];
	_ =	sdelay $0x3  }
0x34: {  	[smem:$0x3FB7] =	sst s10  }
0x35: {  	s10 =	sld [smem:$0x3FB6];
	_ =	sdelay $0x3  }
0x36: {  	p1 =	seq.s32 s10, $0x1;
	s10 =	sld [smem:$0x3FB7];
	_ =	sdelay $0x3  }
0x37: {  	[smem:$0x3FB7] =	sst s10  }
0x38: {  	s10 =	sld [smem:$0x3FB8]  }
0x39: {  	_ = 	snop;
	(pc) =	sbr.ind lr, $3  }
0x3a: {  	_ = 	snop  }
0x3b: {  	_ = 	snop  }
0x3c: {  	p2 =	seq.s32 s10, $0x1;
	s10 =	sld [smem:$0x3FB7]  }
0x3d: {  	_ =	shalt  }
0x3e: {  	_ =	shalt  }
0x3f: {  	_ =	shalt  }
0x40: {  	_ =	shalt  }
0x41: {  	_ =	shalt  }
0x42: {  	_ =	shalt  }
0x43: {  	_ =	shalt  }
0x44: {  	_ =	shalt  }
0x45: {  	_ =	shalt  }
0x46: {  	_ =	shalt  }
0x47: {  	_ =	shalt  }
0x48: {  	_ =	shalt  }
0x49: {  	_ =	shalt  }
0x4a: {  	_ =	shalt  }
0x4b: {  	_ =	shalt  }
0x4c: {  	_ =	shalt  }
0x4d: {  	_ =	shalt  }
0x4e: {  	_ =	shalt  }
0x4f: {  	_ =	shalt  }
0x50: {  	_ =	shalt  }
0x51: {  	_ =	shalt  }
0x52: {  	_ =	shalt  }
0x53: {  	_ =	shalt  }
0x54: {  	_ =	shalt  }
0x55: {  	_ =	shalt  }
0x56: {  	_ =	shalt  }
0x57: {  	_ =	shalt  }
0x58: {  	_ =	shalt  }
0x59: {  	_ =	shalt  }
0x5a: {  	_ =	shalt  }
0x5b: {  	_ =	shalt  }
0x5c: {  	_ =	shalt  }
0x5d: {  	_ =	shalt  }
0x5e: {  	_ =	shalt  }
0x5f: {  	_ =	shalt  }
0x60: {  	_ =	shalt  }
0x61: {  	_ =	shalt  }
0x62: {  	_ =	shalt  }
0x63: {  	_ =	shalt  }
0x64: {  	_ =	shalt  }
0x65: {  	_ =	shalt  }
0x66: {  	_ =	shalt  }
0x67: {  	_ =	shalt  }
0x68: {  	_ =	shalt  }
0x69: {  	_ =	shalt  }
0x6a: {  	_ =	shalt  }
0x6b: {  	_ =	shalt  }
0x6c: {  	_ =	shalt  }
0x6d: {  	_ =	shalt  }
0x6e: {  	_ =	shalt  }
0x6f: {  	_ =	shalt  }
0x70: {  	_ =	shalt  }
0x71: {  	_ =	shalt  }
0x72: {  	_ =	shalt  }
0x73: {  	_ =	shalt  }
0x74: {  	_ =	shalt  }
0x75: {  	_ =	shalt  }
0x76: {  	_ =	shalt  }
0x77: {  	_ =	shalt  }
0x78: {  	_ =	shalt  }
0x79: {  	_ =	shalt  }
0x7a: {  	_ =	shalt  }
0x7b: {  	_ =	shalt  }
0x7c: {  	_ =	shalt  }
0x7d: {  	_ =	shalt  }
0x7e: {  	_ =	shalt  }
0x7f: {  	_ =	shalt  }
0x80: {  	_ =	shalt  }
0x81: {  	_ =	shalt  }
0x82: {  	_ =	shalt  }
0x83: {  	_ =	shalt  }
0x84: {  	_ =	shalt  }
0x85: {  	_ =	shalt  }
0x86: {  	_ =	shalt  }
0x87: {  	_ =	shalt  }
.Lfunc_end0:
.L_simem_size_0:
called_computation_lowered:
.L_overlay_start_0:
0x88: {  	s2 =	sld [smem:$0x3FD9]  }
0x89: {  	s3 =	sld [smem:$0x3FFE];
	_ =	sdelay $0x1  }
0x8a: {  	s1 =	srdreg.scid  }
0x8b: {  	s0 =	sand.u32 $0x1, s1  }
0x8c: {  	s17 =	sshll.u32 s0, $0xA;
	s2 =	sadd.s32 s3, s2  }
0x8d: {  	s2 =	sadd.s32 s2, s17  }
0x8e: {  	[smem:$0x3FC3] =	sst s2  }
0x8f: {  	_ = 	snop  }
0x90: {  	s2 =	sld [smem:$0x3FC9];
	(tm) =	ssettm $0x1  }
0x91: {  	s18 =	sld [smem:$0x3FFB];
	_ =	sdelay $0x3  }
0x92: {  	_ =	strace s18  }
0x93: {  	s3 =	sld [smem:$0x3FFC];
	_ =	sdelay $0x3  }
0x94: {  	_ =	strace s3  }
0x95: {  	s3 =	sld [smem:$0x3FFD];
	_ =	sdelay $0x3  }
0x96: {  	_ =	strace s3  }
0x97: {  	_ =	strace $0x8FFFFFFF  }
0x98: {  	s19 =	sld [smem:$0x3FDB];
	_ =	sdelay $0x1  }
0x99: {  	s4 =	simm.s32 $_scs_section_size  }
0x9a: {  	s5 =	simm.s32 $_size__tile_overlayer_lowered;
	s6 =	simm.s32 $_tile_overlayer_lowered  }
0x9b: {  	s22 =	simm.s32 $0x1BFF;
	s21 =	sshll.u32 s6, $0x1;
	s3 =	sadd.s32 s4, s19  }
0x9c: {  	s7 =	simm.s32 $0x0;
	s20 =	sshll.u32 s5, $0x1;
	s5 =	sadd.s32 s21, s3  }
0x9d: {  	[timem:s7], [sflag:s22] =	dma.local [hbm:s5], s20  }
0x9e: {  	_ =	swait.ge [sflag:s22], s20  }
0x9f: {  	s4 =	ssub.s32 $0x0, s20;
	[sflag:s22] =	ssyncset.done $0x0  }
0xa0: {  	[sflag:s22] =	ssyncadd.s32 s4;
	_ =	sdelay $0x1  }
0xa1: {  	s23 =	simm.s32 $0x1B8B  }
0xa2: {  	_ =	swait.ge [sflag:s23], $0x1  }
0xa3: {  	[sflag:s23] =	ssyncset.done $0x0  }
0xa4: {  	s25 =	simm.s32 $0x1B8E;
	s24 =	sld [smem:$0x3FFE];
	[sflag:s23] =	ssyncadd.s32 $0xFFFFFFFF  }
0xa5: {  	s26 =	simm.s32 $execute0_lowered;
	[smem:$0x3FD2] =	sst s25  }
0xa6: {  	s5 =	sshll.u32 s26, $0x1;
	_ =	strace $0x80000046;
	[dreg:$0x1] =	wrdreg $0xFFFFFFFF  }
0xa7: {  	s28 =	simm.s32 $_size_execute0_lowered;
	s3 =	sadd.s32 s3, s5;
	[dreg:$0x0] =	wrdreg $0x0  }
0xa8: {  	s5 =	sshll.u32 s28, $0x1;
	[dreg:$0x2] =	wrdreg s3  }
0xa9: {  	[dreg:$0x3] =	wrdreg s5  }
0xaa: {  	[dreg:$0x4] =	wrdreg $0xC0  }
0xab: {  	_ =	task [dreg:s7], $0x5FFFF  }
0xac: {  	[dreg:$0x1] =	wrdreg $0xFFFFFFFF  }
0xad: {  	[dreg:$0x0] =	wrdreg $0x60  }
0xae: {  	[dreg:$0x2] =	wrdreg s2  }
0xaf: {  	[dreg:$0x3] =	wrdreg s24  }
0xb0: {  	[dreg:$0x4] =	wrdreg $0x9  }
0xb1: {  	_ =	task.clear_ibuf [dreg:s7], $0x5FFFF;
	_ =	strace $0x90000046  }
0xb2: {  	s29 =	simm.s32 $0x9;
	_ =	strace $0x80000048  }
0xb3: {  	_ =	swait.ge [sflag:s29], $0x1  }
0xb4: {  	[sflag:s29] =	ssyncadd.s32 $0xFFFFFFFF  }
0xb5: {  	_ =	strace $0x90000048  }
0xb6: {  	_ =	sfence  }
0xb7: {  	s30 =	sld [smem:$0x0];
	_ =	sdelay $0x2  }
0xb8: {  	s31 =	sshll.u32 s1, $0xD;
	s1 =	sshrl.u32 s1, $0x2  }
0xb9: {  	s3 =	sand.u32 $0x4000, s31;
	s1 =	sadd.s32 s1, s30  }
0xba: {  	s0 =	sor.u32 s3, s0;
	s1 =	sshll.u32 s1, $0x11  }
0xbb: {  	s0 =	sor.u32 s1, s0  }
0xbc: {  	s0 =	sadd.s32 $0x8F2B, s0  }
0xbd: {  	[sflag:s0] =	ssyncadd.remote.s32 $0x1  }
0xbe: {  	_ =	sfence.sel $0xFFFF  }
0xbf: {  	[dreg:$0x0] =	wrdreg $0xFFFFFFFF;
	(pc) =	sbr.abs _section_cstart, $3  }
0xc0: {  	[dreg:$0x1] =	wrdreg $0xFFFFFFFF  }
0xc1: {  	_ =	task.clear_ibuf [dreg:s7], $0x2FFFF;
	_ =	strace $0x9FFFFFFF  }
0xc2: {  	(tm) =	ssettm $0x7FFFFFFF  }
0xc3: {  	_ =	shalt  }
tec
execute0_lowered:
.L_overlay_start_1:
0x0: {  	(tag) =	ssettag $0x1  }
0x1: {  	s1 =	rddreg [dreg:$0x0]  }
0x2: {  	s5 =	rddreg [dreg:$0x1]  }
0x3: {  	s0 =	rddreg [dreg:$0x2]  }
0x4: {  	s2 =	simm.s32 $0x0;
	s4 =	srdreg.scid;
	s11 =	simm.s32 $0x20  }
0x5: {  	v0 =	vlaneseq.u32;
	s12 =	simm.s32 $0x2C0;
	s13 =	simm.s32 $0x2A0;
	s14 =	simm.s32 $0xAC0  }
0x6: {  	s15 =	simm.s32 $0x1;
	s16 =	simm.s32 $0x2;
	s17 =	simm.s32 $0xB6C0;
	v0 =	vmul.u32 $0x10, v0  }
0x7: {  	v1 =	vimm.f32 $0.0e+00;
	s18 =	simm.s32 $0xB2C0;
	s19 =	simm.s32 $0x0;
	[smem:$0x7FF] =	sst s2  }
0x8: {  	s3 =	sadd.s32 $0xA00, s5;
	s8 =	sand.u32 $0x1, s4;
	s4 =	sadd.s32 $0x16E4000, s5;
	v2 =	vor.u32 $0x1, v0;
	v3 =	vor.u32 $0x2, v0;
	v4 =	vor.u32 $0x3, v0  }
0x9: {  	s6 =	sadd.s32 $0xF42E00, s5;
	s7 =	sadd.s32 $0xB200, s5;
	s9 =	ssub.s32 $0x2, s8;
	v5 =	vor.u32 $0x4, v0;
	v6 =	vor.u32 $0x5, v0;
	v7 =	vor.u32 $0x6, v0  }
0xa: {  	s5 =	stileid.u32;
	_ =	strace $0x80000047;
	s10 =	sshrl.u32 s9, $0x1;
	v8 =	vor.u32 $0x7, v0;
	v9 =	vor.u32 $0x8, v0;
	v10 =	vor.u32 $0x9, v0  }
0xb: {  	s31 =	sshll.u32 s5, $0xA;
	s8 =	sshll.u32 s8, $0x9;
	v11 =	vor.u32 $0xA, v0;
	v12 =	vor.u32 $0xB, v0;
	v13 =	vor.u32 $0xC, v0;
	s9 =	ssub.s32 s9, s10  }
0xc: {  	s8 =	sor.u32 s8, s31;
	v14 =	vor.u32 $0xD, v0;
	v15 =	vor.u32 $0xE, v0;
	v16 =	vor.u32 $0xF, v0;
	s10 =	simm.s32 $0x3;
	s9 =	smax.u32 s9, $0x1  }
.LBB2_1:
0xd: {  	s20 =	simm.s32 $0x0  }
.LBB2_2:
0xe: {  	s21 =	sshll.u32 s20, $0x5  }
0xf: {  	s21 =	sadd.s32 s8, s21  }
0x10: {  	s22 =	sshrl.u32 s21, $0x3  }
0x11: {  	s31 =	smul.u32 $0x15, s21;
	s23 =	sadd.s32 s1, s22;
	s22 =	simm.s32 $0x0  }
0x12: {  	[tilespmem:s22], [sflag:$0x3] =	stream.linear.gather [hbm4b:s23+s22], $0x20, $0x38;
	[tilespmem:$0xB7C0] =	vst v63  }
0x13: {  	_ =	swait.ge [sflag:s10], $0x20  }
0x14: {  	s23 =	sshrl.u32 s31, $0x3;
	[sflag:s10] =	ssyncset.done $0x0  }
0x15: {  	s23 =	sadd.s32 s3, s23;
	[sflag:s10] =	ssyncadd.s32 $0xFFFFFFE0  }
0x16: {  	[tilespmem:s11], [sflag:$0x3] =	stream.linear.gather [hbm4b:s23+s22], $0x2A0, $0x38;
	[tilespmem:$0xB7C0] =	vst v63  }
0x17: {  	_ =	swait.ge [sflag:s10], $0x2A0  }
0x18: {  	[sflag:s10] =	ssyncset.done $0x0  }
0x19: {  	[sflag:s10] =	ssyncadd.s32 $0xFFFFFD60  }
0x1a: {  	[tilespmem:s12], [sflag:$0x1] =	stream.indirect.gather [hbm4b:s4+s11], $0x40, s22, s11, $0xb8;
	[tilespmem:$0xB7C0] =	vst v63  }
0x1b: {  	_ = 	snop  }
0x1c: {  	[tilespmem:s14], [sflag:$0x2] =	stream.indirect.gather [hbm4b:s6+s13], $0x40, s11, s13, $0xb8;
	[tilespmem:$0xB7C0] =	vst v63  }
0x1d: {  	_ =	swait.ge [sflag:s15], $0x800  }
0x1e: {  	[sflag:s15] =	ssyncset.done $0x0  }
0x1f: {  	[sflag:s15] =	ssyncadd.s32 $0xFFFFF800  }
0x20: {  	_ =	swait.ge [sflag:s16], $0xA800  }
0x21: {  	[sflag:s16] =	ssyncset.done $0x0  }
0x22: {  	s24 =	simm.s32 $0x2E0;
	s23 =	simm.s32 $0xD60;
	[sflag:s16] =	ssyncadd.s32 $0xFFFF5800  }
.LBB2_3:
0x23: {  	v17 =	vld [tilespmem:s24+$0xFFFFFFE0]  }
0x24: {  	v18 =	vld [tilespmem:s24+$0xFFFFFFF0]  }
0x25: {  	v21 =	vld [tilespmem:s23+$0xFFFFFD60]  }
0x26: {  	v22 =	vld [tilespmem:s23+$0xFFFFFD70]  }
0x27: {  	v19 =	vld [tilespmem:s24+$0x0]  }
0x28: {  	v23 =	vld [tilespmem:s23+$0xFFFFFD80]  }
0x29: {  	v20 =	vld [tilespmem:s24+$0x10]  }
0x2a: {  	v24 =	vld [tilespmem:s23+$0xFFFFFD90]  }
0x2b: {  	v21 =	vmul.f32 v21, v17;
	v22 =	vmul.f32 v22, v18;
	_ =	sdelay $0x1  }
0x2c: {  	v54 =	vmul.f32 v23, v19;
	v21 =	vadd.f32 v22, v21;
	_ =	sdelay $0x1  }
0x2d: {  	v55 =	vmul.f32 v24, v20;
	v21 =	vadd.f32 v54, v21;
	_ =	sdelay $0x1  }
0x2e: {  	v21 =	vadd.f32 v55, v21;
	_ =	sdelay $0x1  }
0x2f: {  	[tilespmem:$0xB6C0] =	vst v21  }
0x30: {  	v21 =	vld [tilespmem:s23+$0xFFFFFDA0]  }
0x31: {  	v56 =	vld [tilespmem:s23+$0xFFFFFDB0];
	_ =	sdelay $0x1  }
0x32: {  	v57 =	vld [tilespmem:s23+$0xFFFFFDC0];
	_ =	sdelay $0x1  }
0x33: {  	v58 =	vld [tilespmem:s23+$0xFFFFFDD0]  }
0x34: {  	v21 =	vmul.f32 v21, v17;
	v22 =	vmul.f32 v56, v18;
	_ =	sdelay $0x1  }
0x35: {  	v59 =	vmul.f32 v57, v19;
	v21 =	vadd.f32 v22, v21;
	_ =	sdelay $0x1  }
0x36: {  	v60 =	vmul.f32 v58, v20;
	v21 =	vadd.f32 v59, v21;
	_ =	sdelay $0x1  }
0x37: {  	v21 =	vadd.f32 v60, v21;
	_ =	sdelay $0x1  }
0x38: {  	[tilespmem:$0xB6D0] =	vst v21  }
0x39: {  	v21 =	vld [tilespmem:s23+$0xFFFFFDE0]  }
0x3a: {  	v61 =	vld [tilespmem:s23+$0xFFFFFDF0];
	_ =	sdelay $0x1  }
0x3b: {  	v62 =	vld [tilespmem:s23+$0xFFFFFE00];
	_ =	sdelay $0x1  }
0x3c: {  	v63 =	vld [tilespmem:s23+$0xFFFFFE10]  }
0x3d: {  	v21 =	vmul.f32 v21, v17;
	v22 =	vmul.f32 v61, v18;
	_ =	sdelay $0x1  }
0x3e: {  	v26 =	vmul.f32 v62, v19;
	v21 =	vadd.f32 v22, v21;
	_ =	sdelay $0x1  }
0x3f: {  	v27 =	vmul.f32 v63, v20;
	v21 =	vadd.f32 v26, v21;
	_ =	sdelay $0x1  }
0x40: {  	v21 =	vadd.f32 v27, v21;
	_ =	sdelay $0x1  }
0x41: {  	[tilespmem:$0xB6E0] =	vst v21  }
0x42: {  	v21 =	vld [tilespmem:s23+$0xFFFFFE20]  }
0x43: {  	v28 =	vld [tilespmem:s23+$0xFFFFFE30];
	_ =	sdelay $0x1  }
0x44: {  	v29 =	vld [tilespmem:s23+$0xFFFFFE40];
	_ =	sdelay $0x1  }
0x45: {  	v30 =	vld [tilespmem:s23+$0xFFFFFE50]  }
0x46: {  	v21 =	vmul.f32 v21, v17;
	v22 =	vmul.f32 v28, v18;
	_ =	sdelay $0x1  }
0x47: {  	v31 =	vmul.f32 v29, v19;
	v21 =	vadd.f32 v22, v21;
	_ =	sdelay $0x1  }
0x48: {  	v32 =	vmul.f32 v30, v20;
	v21 =	vadd.f32 v31, v21;
	_ =	sdelay $0x1  }
0x49: {  	v21 =	vadd.f32 v32, v21;
	_ =	sdelay $0x1  }
0x4a: {  	[tilespmem:$0xB6F0] =	vst v21  }
0x4b: {  	v21 =	vld [tilespmem:s23+$0xFFFFFE60]  }
0x4c: {  	v33 =	vld [tilespmem:s23+$0xFFFFFE70];
	_ =	sdelay $0x1  }
0x4d: {  	v34 =	vld [tilespmem:s23+$0xFFFFFE80];
	_ =	sdelay $0x1  }
0x4e: {  	v35 =	vld [tilespmem:s23+$0xFFFFFE90]  }
0x4f: {  	v21 =	vmul.f32 v21, v17;
	v22 =	vmul.f32 v33, v18;
	_ =	sdelay $0x1  }
0x50: {  	v36 =	vmul.f32 v34, v19;
	v21 =	vadd.f32 v22, v21;
	_ =	sdelay $0x1  }
0x51: {  	v37 =	vmul.f32 v35, v20;
	v21 =	vadd.f32 v36, v21;
	_ =	sdelay $0x1  }
0x52: {  	v21 =	vadd.f32 v37, v21;
	_ =	sdelay $0x1  }
0x53: {  	[tilespmem:$0xB700] =	vst v21  }
0x54: {  	v21 =	vld [tilespmem:s23+$0xFFFFFEA0]  }
0x55: {  	v38 =	vld [tilespmem:s23+$0xFFFFFEB0];
	_ =	sdelay $0x1  }
0x56: {  	v39 =	vld [tilespmem:s23+$0xFFFFFEC0];
	_ =	sdelay $0x1  }
0x57: {  	v40 =	vld [tilespmem:s23+$0xFFFFFED0]  }
0x58: {  	v21 =	vmul.f32 v21, v17;
	v22 =	vmul.f32 v38, v18;
	_ =	sdelay $0x1  }
0x59: {  	v41 =	vmul.f32 v39, v19;
	v21 =	vadd.f32 v22, v21;
	_ =	sdelay $0x1  }
0x5a: {  	v42 =	vmul.f32 v40, v20;
	v21 =	vadd.f32 v41, v21;
	_ =	sdelay $0x1  }
0x5b: {  	v21 =	vadd.f32 v42, v21;
	_ =	sdelay $0x1  }
0x5c: {  	[tilespmem:$0xB710] =	vst v21  }
0x5d: {  	v21 =	vld [tilespmem:s23+$0xFFFFFEE0]  }
0x5e: {  	v43 =	vld [tilespmem:s23+$0xFFFFFEF0];
	_ =	sdelay $0x1  }
0x5f: {  	v44 =	vld [tilespmem:s23+$0xFFFFFF00];
	_ =	sdelay $0x1  }
0x60: {  	v45 =	vld [tilespmem:s23+$0xFFFFFF10]  }
0x61: {  	v21 =	vmul.f32 v21, v17;
	v22 =	vmul.f32 v43, v18;
	_ =	sdelay $0x1  }
0x62: {  	v46 =	vmul.f32 v44, v19;
	v21 =	vadd.f32 v22, v21;
	_ =	sdelay $0x1  }
0x63: {  	v47 =	vmul.f32 v45, v20;
	v21 =	vadd.f32 v46, v21;
	_ =	sdelay $0x1  }
0x64: {  	v21 =	vadd.f32 v47, v21;
	_ =	sdelay $0x1  }
0x65: {  	[tilespmem:$0xB720] =	vst v21  }
0x66: {  	v21 =	vld [tilespmem:s23+$0xFFFFFF20]  }
0x67: {  	v48 =	vld [tilespmem:s23+$0xFFFFFF30];
	_ =	sdelay $0x1  }
0x68: {  	v49 =	vld [tilespmem:s23+$0xFFFFFF40];
	_ =	sdelay $0x1  }
0x69: {  	v50 =	vld [tilespmem:s23+$0xFFFFFF50]  }
0x6a: {  	v21 =	vmul.f32 v21, v17;
	v22 =	vmul.f32 v48, v18;
	_ =	sdelay $0x1  }
0x6b: {  	v51 =	vmul.f32 v49, v19;
	v21 =	vadd.f32 v22, v21;
	_ =	sdelay $0x1  }
0x6c: {  	v52 =	vmul.f32 v50, v20;
	v21 =	vadd.f32 v51, v21;
	_ =	sdelay $0x1  }
0x6d: {  	v21 =	vadd.f32 v52, v21;
	_ =	sdelay $0x1  }
0x6e: {  	[tilespmem:$0xB730] =	vst v21  }
0x6f: {  	v21 =	vld [tilespmem:s23+$0xFFFFFF60]  }
0x70: {  	v53 =	vld [tilespmem:s23+$0xFFFFFF70];
	_ =	sdelay $0x1  }
0x71: {  	v54 =	vld [tilespmem:s23+$0xFFFFFF80];
	_ =	sdelay $0x1  }
0x72: {  	v55 =	vld [tilespmem:s23+$0xFFFFFF90]  }
0x73: {  	v21 =	vmul.f32 v21, v17;
	v22 =	vmul.f32 v53, v18;
	_ =	sdelay $0x1  }
0x74: {  	v56 =	vmul.f32 v54, v19;
	v21 =	vadd.f32 v22, v21;
	_ =	sdelay $0x1  }
0x75: {  	v57 =	vmul.f32 v55, v20;
	v21 =	vadd.f32 v56, v21;
	_ =	sdelay $0x1  }
0x76: {  	v21 =	vadd.f32 v57, v21;
	_ =	sdelay $0x1  }
0x77: {  	[tilespmem:$0xB740] =	vst v21  }
0x78: {  	v21 =	vld [tilespmem:s23+$0xFFFFFFA0]  }
0x79: {  	v58 =	vld [tilespmem:s23+$0xFFFFFFB0];
	_ =	sdelay $0x1  }
0x7a: {  	v59 =	vld [tilespmem:s23+$0xFFFFFFC0];
	_ =	sdelay $0x1  }
0x7b: {  	v60 =	vld [tilespmem:s23+$0xFFFFFFD0]  }
0x7c: {  	v21 =	vmul.f32 v21, v17;
	v22 =	vmul.f32 v58, v18;
	_ =	sdelay $0x1  }
0x7d: {  	v61 =	vmul.f32 v59, v19;
	v21 =	vadd.f32 v22, v21;
	_ =	sdelay $0x1  }
0x7e: {  	v62 =	vmul.f32 v60, v20;
	v21 =	vadd.f32 v61, v21;
	_ =	sdelay $0x1  }
0x7f: {  	v21 =	vadd.f32 v62, v21;
	_ =	sdelay $0x1  }
0x80: {  	[tilespmem:$0xB750] =	vst v21  }
0x81: {  	v21 =	vld [tilespmem:s23+$0xFFFFFFE0]  }
0x82: {  	v63 =	vld [tilespmem:s23+$0xFFFFFFF0];
	_ =	sdelay $0x1  }
0x83: {  	v28 =	vld [tilespmem:s23+$0x0];
	_ =	sdelay $0x1  }
0x84: {  	v29 =	vld [tilespmem:s23+$0x10]  }
0x85: {  	v21 =	vmul.f32 v21, v17;
	v22 =	vmul.f32 v63, v18;
	_ =	sdelay $0x1  }
0x86: {  	v30 =	vmul.f32 v28, v19;
	v21 =	vadd.f32 v22, v21;
	_ =	sdelay $0x1  }
0x87: {  	v31 =	vmul.f32 v29, v20;
	v21 =	vadd.f32 v30, v21;
	_ =	sdelay $0x1  }
0x88: {  	v21 =	vadd.f32 v31, v21;
	_ =	sdelay $0x1  }
0x89: {  	[tilespmem:$0xB760] =	vst v21  }
0x8a: {  	v21 =	vld [tilespmem:s23+$0x20]  }
0x8b: {  	v32 =	vld [tilespmem:s23+$0x30];
	_ =	sdelay $0x1  }
0x8c: {  	v33 =	vld [tilespmem:s23+$0x40];
	_ =	sdelay $0x1  }
0x8d: {  	v34 =	vld [tilespmem:s23+$0x50]  }
0x8e: {  	v21 =	vmul.f32 v21, v17;
	v22 =	vmul.f32 v32, v18;
	_ =	sdelay $0x1  }
0x8f: {  	v35 =	vmul.f32 v33, v19;
	v21 =	vadd.f32 v22, v21;
	_ =	sdelay $0x1  }
0x90: {  	v36 =	vmul.f32 v34, v20;
	v21 =	vadd.f32 v35, v21;
	_ =	sdelay $0x1  }
0x91: {  	v21 =	vadd.f32 v36, v21;
	_ =	sdelay $0x1  }
0x92: {  	[tilespmem:$0xB770] =	vst v21  }
0x93: {  	v21 =	vld [tilespmem:s23+$0x60]  }
0x94: {  	v37 =	vld [tilespmem:s23+$0x70];
	_ =	sdelay $0x1  }
0x95: {  	v38 =	vld [tilespmem:s23+$0x80];
	_ =	sdelay $0x1  }
0x96: {  	v39 =	vld [tilespmem:s23+$0x90]  }
0x97: {  	v21 =	vmul.f32 v21, v17;
	v22 =	vmul.f32 v37, v18;
	_ =	sdelay $0x1  }
0x98: {  	v40 =	vmul.f32 v38, v19;
	v21 =	vadd.f32 v22, v21;
	_ =	sdelay $0x1  }
0x99: {  	v41 =	vmul.f32 v39, v20;
	v21 =	vadd.f32 v40, v21;
	_ =	sdelay $0x1  }
0x9a: {  	v21 =	vadd.f32 v41, v21;
	_ =	sdelay $0x1  }
0x9b: {  	[tilespmem:$0xB780] =	vst v21  }
0x9c: {  	v21 =	vld [tilespmem:s23+$0xA0]  }
0x9d: {  	v42 =	vld [tilespmem:s23+$0xB0];
	_ =	sdelay $0x1  }
0x9e: {  	v43 =	vld [tilespmem:s23+$0xC0];
	_ =	sdelay $0x1  }
0x9f: {  	v44 =	vld [tilespmem:s23+$0xD0]  }
0xa0: {  	v21 =	vmul.f32 v21, v17;
	v22 =	vmul.f32 v42, v18;
	_ =	sdelay $0x1  }
0xa1: {  	v45 =	vmul.f32 v43, v19;
	v21 =	vadd.f32 v22, v21;
	_ =	sdelay $0x1  }
0xa2: {  	v46 =	vmul.f32 v44, v20;
	v21 =	vadd.f32 v45, v21;
	_ =	sdelay $0x1  }
0xa3: {  	v21 =	vadd.f32 v46, v21;
	_ =	sdelay $0x1  }
0xa4: {  	[tilespmem:$0xB790] =	vst v21  }
0xa5: {  	v21 =	vld [tilespmem:s23+$0xE0]  }
0xa6: {  	v47 =	vld [tilespmem:s23+$0xF0];
	_ =	sdelay $0x1  }
0xa7: {  	v48 =	vld [tilespmem:s23+$0x100];
	_ =	sdelay $0x1  }
0xa8: {  	v49 =	vld [tilespmem:s23+$0x110]  }
0xa9: {  	v21 =	vmul.f32 v21, v17;
	v22 =	vmul.f32 v47, v18;
	_ =	sdelay $0x1  }
0xaa: {  	v50 =	vmul.f32 v48, v19;
	v21 =	vadd.f32 v22, v21;
	_ =	sdelay $0x1  }
0xab: {  	v51 =	vmul.f32 v49, v20;
	v21 =	vadd.f32 v50, v21;
	_ =	sdelay $0x1  }
0xac: {  	v21 =	vadd.f32 v51, v21;
	_ =	sdelay $0x1  }
0xad: {  	[tilespmem:$0xB7A0] =	vst v21  }
0xae: {  	v21 =	vld [tilespmem:s23+$0x120]  }
0xaf: {  	v52 =	vld [tilespmem:s23+$0x130];
	_ =	sdelay $0x1  }
0xb0: {  	v53 =	vld [tilespmem:s23+$0x140];
	_ =	sdelay $0x1  }
0xb1: {  	v54 =	vld [tilespmem:s23+$0x150]  }
0xb2: {  	v21 =	vmul.f32 v21, v17;
	v22 =	vmul.f32 v52, v18;
	_ =	sdelay $0x1  }
0xb3: {  	v55 =	vmul.f32 v53, v19;
	v21 =	vadd.f32 v22, v21;
	_ =	sdelay $0x1  }
0xb4: {  	v56 =	vmul.f32 v54, v20;
	v21 =	vadd.f32 v55, v21;
	_ =	sdelay $0x1  }
0xb5: {  	v21 =	vadd.f32 v56, v21;
	_ =	sdelay $0x1  }
0xb6: {  	[tilespmem:$0xB7B0] =	vst v21  }
0xb7: {  	v21 =	vld.idx.msk [tilespmem:v0+s17+$0x0], $0xffff;
	_ =	sdelay $0x1  }
0xb8: {  	v57 =	vld.idx.msk [tilespmem:v2+s17+$0x0], $0xffff;
	_ =	sdelay $0x1  }
0xb9: {  	v58 =	vld.idx.msk [tilespmem:v3+s17+$0x0], $0xffff  }
0xba: {  	v21 =	vadd.f32 $0.0e+00, v21  }
0xbb: {  	v59 =	vld.idx.msk [tilespmem:v4+s17+$0x0], $0xffff  }
0xbc: {  	v21 =	vadd.f32 v57, v21  }
0xbd: {  	v60 =	vld.idx.msk [tilespmem:v5+s17+$0x0], $0xffff  }
0xbe: {  	v21 =	vadd.f32 v58, v21  }
0xbf: {  	v61 =	vld.idx.msk [tilespmem:v6+s17+$0x0], $0xffff  }
0xc0: {  	v21 =	vadd.f32 v59, v21  }
0xc1: {  	v62 =	vld.idx.msk [tilespmem:v7+s17+$0x0], $0xffff  }
0xc2: {  	v21 =	vadd.f32 v60, v21  }
0xc3: {  	v63 =	vld.idx.msk [tilespmem:v8+s17+$0x0], $0xffff  }
0xc4: {  	v21 =	vadd.f32 v61, v21  }
0xc5: {  	v28 =	vld.idx.msk [tilespmem:v9+s17+$0x0], $0xffff  }
0xc6: {  	v21 =	vadd.f32 v62, v21  }
0xc7: {  	v29 =	vld.idx.msk [tilespmem:v10+s17+$0x0], $0xffff  }
0xc8: {  	v21 =	vadd.f32 v63, v21  }
0xc9: {  	v30 =	vld.idx.msk [tilespmem:v11+s17+$0x0], $0xffff  }
0xca: {  	v21 =	vadd.f32 v28, v21  }
0xcb: {  	v31 =	vld.idx.msk [tilespmem:v12+s17+$0x0], $0xffff  }
0xcc: {  	v21 =	vadd.f32 v29, v21  }
0xcd: {  	v32 =	vld.idx.msk [tilespmem:v13+s17+$0x0], $0xffff  }
0xce: {  	v21 =	vadd.f32 v30, v21  }
0xcf: {  	v33 =	vld.idx.msk [tilespmem:v14+s17+$0x0], $0xffff  }
0xd0: {  	v21 =	vadd.f32 v31, v21  }
0xd1: {  	v34 =	vld.idx.msk [tilespmem:v15+s17+$0x0], $0xffff  }
0xd2: {  	v21 =	vadd.f32 v32, v21  }
0xd3: {  	v35 =	vld.idx.msk [tilespmem:v16+s17+$0x0], $0xffff  }
0xd4: {  	v21 =	vadd.f32 v33, v21;
	_ =	sdelay $0x1  }
0xd5: {  	v21 =	vadd.f32 v34, v21;
	_ =	sdelay $0x1  }
0xd6: {  	v21 =	vadd.f32 v35, v21  }
0xd7: {  	s25 =	sshra.s32 s22, $0x2  }
0xd8: {  	[tilespmem:s25+$0xB2C0] =	vst v21  }
0xd9: {  	v21 =	vld [tilespmem:s23+$0x160]  }
0xda: {  	v36 =	vld [tilespmem:s23+$0x170];
	_ =	sdelay $0x1  }
0xdb: {  	v37 =	vld [tilespmem:s23+$0x180];
	_ =	sdelay $0x1  }
0xdc: {  	v38 =	vld [tilespmem:s23+$0x190]  }
0xdd: {  	v21 =	vmul.f32 v21, v17;
	v22 =	vmul.f32 v36, v18;
	_ =	sdelay $0x1  }
0xde: {  	v39 =	vmul.f32 v37, v19;
	v21 =	vadd.f32 v22, v21;
	_ =	sdelay $0x1  }
0xdf: {  	v40 =	vmul.f32 v38, v20;
	v21 =	vadd.f32 v39, v21;
	_ =	sdelay $0x1  }
0xe0: {  	v21 =	vadd.f32 v40, v21;
	_ =	sdelay $0x1  }
0xe1: {  	[tilespmem:$0xB6C0] =	vst v21  }
0xe2: {  	v21 =	vld [tilespmem:s23+$0x1A0]  }
0xe3: {  	v41 =	vld [tilespmem:s23+$0x1B0];
	_ =	sdelay $0x1  }
0xe4: {  	v42 =	vld [tilespmem:s23+$0x1C0];
	_ =	sdelay $0x1  }
0xe5: {  	v43 =	vld [tilespmem:s23+$0x1D0]  }
0xe6: {  	v21 =	vmul.f32 v21, v17;
	v22 =	vmul.f32 v41, v18;
	_ =	sdelay $0x1  }
0xe7: {  	v44 =	vmul.f32 v42, v19;
	v21 =	vadd.f32 v22, v21;
	_ =	sdelay $0x1  }
0xe8: {  	v45 =	vmul.f32 v43, v20;
	v21 =	vadd.f32 v44, v21;
	_ =	sdelay $0x1  }
0xe9: {  	v21 =	vadd.f32 v45, v21;
	_ =	sdelay $0x1  }
0xea: {  	[tilespmem:$0xB6D0] =	vst v21  }
0xeb: {  	v21 =	vld [tilespmem:s23+$0x1E0]  }
0xec: {  	v46 =	vld [tilespmem:s23+$0x1F0];
	_ =	sdelay $0x1  }
0xed: {  	v47 =	vld [tilespmem:s23+$0x200];
	_ =	sdelay $0x1  }
0xee: {  	v48 =	vld [tilespmem:s23+$0x210]  }
0xef: {  	v21 =	vmul.f32 v21, v17;
	v22 =	vmul.f32 v46, v18;
	_ =	sdelay $0x1  }
0xf0: {  	v49 =	vmul.f32 v47, v19;
	v21 =	vadd.f32 v22, v21;
	_ =	sdelay $0x1  }
0xf1: {  	v50 =	vmul.f32 v48, v20;
	v21 =	vadd.f32 v49, v21;
	_ =	sdelay $0x1  }
0xf2: {  	v21 =	vadd.f32 v50, v21;
	_ =	sdelay $0x1  }
0xf3: {  	[tilespmem:$0xB6E0] =	vst v21  }
0xf4: {  	v21 =	vld [tilespmem:s23+$0x220]  }
0xf5: {  	v51 =	vld [tilespmem:s23+$0x230];
	_ =	sdelay $0x1  }
0xf6: {  	v52 =	vld [tilespmem:s23+$0x240];
	_ =	sdelay $0x1  }
0xf7: {  	v53 =	vld [tilespmem:s23+$0x250]  }
0xf8: {  	v21 =	vmul.f32 v21, v17;
	v22 =	vmul.f32 v51, v18;
	_ =	sdelay $0x1  }
0xf9: {  	v54 =	vmul.f32 v52, v19;
	v21 =	vadd.f32 v22, v21;
	_ =	sdelay $0x1  }
0xfa: {  	v55 =	vmul.f32 v53, v20;
	v21 =	vadd.f32 v54, v21;
	_ =	sdelay $0x1  }
0xfb: {  	v21 =	vadd.f32 v55, v21;
	_ =	sdelay $0x1  }
0xfc: {  	[tilespmem:$0xB6F0] =	vst v21  }
0xfd: {  	v21 =	vld [tilespmem:s23+$0x260]  }
0xfe: {  	v56 =	vld [tilespmem:s23+$0x270]  }
0xff: {  	v57 =	vld [tilespmem:s23+$0x280]  }
0x100: {  	v58 =	vld [tilespmem:s23+$0x290];
	[tilespmem:$0xB710] =	vst v1  }
0x101: {  	[tilespmem:$0xB720] =	vst v1  }
0x102: {  	[tilespmem:$0xB730] =	vst v1  }
0x103: {  	[tilespmem:$0xB740] =	vst v1;
	v17 =	vmul.f32 v21, v17;
	v18 =	vmul.f32 v56, v18  }
0x104: {  	[tilespmem:$0xB750] =	vst v1  }
0x105: {  	[tilespmem:$0xB760] =	vst v1;
	v17 =	vadd.f32 v18, v17;
	v18 =	vmul.f32 v57, v19  }
0x106: {  	[tilespmem:$0xB770] =	vst v1  }
0x107: {  	[tilespmem:$0xB780] =	vst v1;
	v17 =	vadd.f32 v18, v17;
	v18 =	vmul.f32 v58, v20  }
0x108: {  	[tilespmem:$0xB790] =	vst v1  }
0x109: {  	[tilespmem:$0xB7A0] =	vst v1;
	v17 =	vadd.f32 v18, v17  }
0x10a: {  	[tilespmem:$0xB7B0] =	vst v1  }
0x10b: {  	[tilespmem:$0xB700] =	vst v17  }
0x10c: {  	v17 =	vld.idx.msk [tilespmem:v0+s17+$0x0], $0xffff;
	_ =	sdelay $0x1  }
0x10d: {  	v18 =	vld.idx.msk [tilespmem:v2+s17+$0x0], $0xffff;
	_ =	sdelay $0x1  }
0x10e: {  	v19 =	vld.idx.msk [tilespmem:v3+s17+$0x0], $0xffff  }
0x10f: {  	v17 =	vadd.f32 $0.0e+00, v17  }
0x110: {  	v59 =	vld.idx.msk [tilespmem:v4+s17+$0x0], $0xffff  }
0x111: {  	v17 =	vadd.f32 v18, v17  }
0x112: {  	v18 =	vld.idx.msk [tilespmem:v5+s17+$0x0], $0xffff  }
0x113: {  	v17 =	vadd.f32 v19, v17  }
0x114: {  	v19 =	vld.idx.msk [tilespmem:v6+s17+$0x0], $0xffff  }
0x115: {  	v17 =	vadd.f32 v59, v17  }
0x116: {  	v60 =	vld.idx.msk [tilespmem:v7+s17+$0x0], $0xffff  }
0x117: {  	v17 =	vadd.f32 v18, v17  }
0x118: {  	v18 =	vld.idx.msk [tilespmem:v8+s17+$0x0], $0xffff  }
0x119: {  	v17 =	vadd.f32 v19, v17  }
0x11a: {  	v19 =	vld.idx.msk [tilespmem:v9+s17+$0x0], $0xffff  }
0x11b: {  	v17 =	vadd.f32 v60, v17  }
0x11c: {  	v61 =	vld.idx.msk [tilespmem:v10+s17+$0x0], $0xffff  }
0x11d: {  	v17 =	vadd.f32 v18, v17  }
0x11e: {  	v18 =	vld.idx.msk [tilespmem:v11+s17+$0x0], $0xffff  }
0x11f: {  	v17 =	vadd.f32 v19, v17  }
0x120: {  	v19 =	vld.idx.msk [tilespmem:v12+s17+$0x0], $0xffff  }
0x121: {  	v17 =	vadd.f32 v61, v17  }
0x122: {  	v62 =	vld.idx.msk [tilespmem:v13+s17+$0x0], $0xffff  }
0x123: {  	v17 =	vadd.f32 v18, v17  }
0x124: {  	v18 =	vld.idx.msk [tilespmem:v14+s17+$0x0], $0xffff  }
0x125: {  	v17 =	vadd.f32 v19, v17  }
0x126: {  	v19 =	vld.idx.msk [tilespmem:v15+s17+$0x0], $0xffff  }
0x127: {  	v17 =	vadd.f32 v62, v17  }
0x128: {  	v63 =	vld.idx.msk [tilespmem:v16+s17+$0x0], $0xffff  }
0x129: {  	v17 =	vadd.f32 v18, v17  }
0x12a: {  	p0 =	sne.s32 s22, $0xF80  }
.Ltmp0:
0x12b: {  	v17 =	vadd.f32 v19, v17;
	(pc) =	sbr.rel @p0 .LBB2_3-.Ltmp0, $3  }
0x12c: {  	_ = 	snop  }
0x12d: {  	v17 =	vadd.f32 v63, v17;
	_ =	sdelay $0x1  }
0x12e: {  	s24 =	sadd.s32 $0x40, s24;
	s22 =	sadd.s32 $0x80, s22;
	s23 =	sadd.s32 $0x540, s23;
	[tilespmem:s25+$0xB2D0] =	vst v17  }
0x12f: {  	s20 =	sadd.s32 $0x1, s20  }
0x130: {  	s21 =	sshll.u32 s21, $0x2;
	p0 =	sne.s32 s20, $0x10  }
.Ltmp1:
0x131: {  	s21 =	sadd.s32 s7, s21;
	(pc) =	sbr.rel @p0 .LBB2_2-.Ltmp1, $4  }
0x132: {  	[hbm4b:s21+s2] =	stream.linear.scatter [tilespmem:s18], [sflag:$0x3], $0x400, $0x38;
	[tilespmem:$0xB7C0] =	vst v63  }
0x133: {  	_ =	swait.ge [sflag:s10], $0x400  }
0x134: {  	[sflag:s10] =	ssyncset.done $0x0  }
0x135: {  	[sflag:s10] =	ssyncadd.s32 $0xFFFFFC00  }
0x136: {  	s19 =	sadd.s32 $0x1, s19  }
0x137: {  	p0 =	sne.s32 s19, s9  }
.Ltmp2:
0x138: {  	_ = 	snop;
	(pc) =	sbr.rel @p0 .LBB2_1-.Ltmp2, $1  }
0x139: {  	_ =	sdelay $0x3  }
0x13a: {  	_ =	sfence.sel $0x180000  }
0x13b: {  	[bflag:$0x0] =	sbarrier.arrive $0xFFFF  }
0x13c: {  	p0 =	sne.s32 s5, $0x0;
	_ =	strace $0x90000047  }
0x13d: {  	s0 =	sadd.s32 @!p0 $0x100000, s0;
	[bflag:$0x2] =	sbarrier.arrive $0xFFFF  }
0x13e: {  	[sflag:s0] =	ssyncadd.tile.s32 @!p0 $0x1;
	_ =	shalt  }
.Lfunc_end2:
_tile_overlayer_lowered:
.L_overlay_start_2:
0x13f: {  	(tag) =	ssettag $0x2  }
0x140: {  	s0 =	rddreg [dreg:$0x0];
	s2 =	stileid.u32  }
0x141: {  	s1 =	rddreg [dreg:$0x1];
	p0 =	sne.s32 s2, $0x0  }
0x142: {  	s3 =	rddreg [dreg:$0x2];
	[bflag:$0x3] =	sbarrier.arrive $0xFFFF;
	s2 =	simm.s32 @!p0 $0x1C03  }
0x143: {  	[timem:s3], [sflag:s2] =	dma.local @!p0 [hbm:s0], s1  }
0x144: {  	s0 =	simm.s32 @!p0 $0x3  }
0x145: {  	_ =	swait.ge @!p0 [sflag:s0], s1  }
0x146: {  	s1 =	ssub.s32 @!p0 $0x0, s1;
	[sflag:s0] =	ssyncset.done @!p0 $0x0  }
0x147: {  	[sflag:s0] =	ssyncadd.s32 @!p0 s1  }
0x148: {  	[bflag:$0x3] =	sbarrier.arrive $0xFFFF  }
0x149: {  	_ =	shalt  }

</sc_bundles>
